<compile_context>
chip_gen: v7x
topology: tpu7x:2x2x1
jax: 0.10.2.dev20260603
libtpu: 0.0.44.dev20260713+nightly
codegen_flags: <defaults>
</compile_context>

<pallas_src>
import functools

import jax
import jax.numpy as jnp
from jax import lax
from jax.experimental import pallas as pl
from jax.experimental.pallas import tpu as pltpu
from jax.experimental.pallas import tpu_sc as plsc

N = 10000
D = 128
E = 160000

NC = 2
NS = 16
NW = NC * NS
K = 128
CH = 79
SLOTS = NW * CH * K
ROWS = 10240
RPT = ROWS // NS
RCH = RPT // K
TRASH = ROWS - 2

_sc_mesh = plsc.VectorSubcoreMesh(core_axis_name="c", subcore_axis_name="s")


@functools.partial(
    pl.kernel,
    mesh=_sc_mesh,
    out_type=[
        jax.ShapeDtypeStruct((NC * ROWS, D), jnp.float32),
        jax.ShapeDtypeStruct((NC * ROWS,), jnp.float32),
    ],
    scratch_types=[
        pltpu.VMEM((K,), jnp.int32),
        pltpu.VMEM((K,), jnp.int32),
        pltpu.VMEM((K,), jnp.float32),
        pltpu.VMEM((K, D), jnp.float32),
        pltpu.VMEM_SHARED((ROWS, D), jnp.float32),
        pltpu.VMEM_SHARED((ROWS,), jnp.float32),
        pltpu.SemaphoreType.DMA,
    ],
)
def _sc_aggregate(h_hbm, cidx_hbm, ridx_hbm, agg_hbm, deg_hbm,
                  cidx_v, ridx_v, ones_v, rows_v, agg_sh, deg_sh, sem):
    c = lax.axis_index("c")
    s = lax.axis_index("s")
    wid = c * NS + s

    def _zero_row(i, carry):
        for j in range(D // 16):
            rows_v[i, pl.ds(j * 16, 16)] = jnp.zeros((16,), jnp.float32)
        return carry
    lax.fori_loop(0, K, _zero_row, 0)
    for g in range(K // 16):
        ones_v[pl.ds(g * 16, 16)] = jnp.zeros((16,), jnp.float32)

    base_row = s * RPT
    def _zero_chunk(k, carry):
        row0 = base_row + k * K
        for g in range(K // 16):
            ridx_v[pl.ds(g * 16, 16)] = row0 + g * 16 + lax.iota(jnp.int32, 16)
        pltpu.sync_copy(rows_v, agg_sh.at[ridx_v])
        pltpu.sync_copy(ones_v, deg_sh.at[ridx_v])
        return carry
    lax.fori_loop(0, RCH, _zero_chunk, 0)

    for g in range(K // 16):
        ones_v[pl.ds(g * 16, 16)] = jnp.ones((16,), jnp.float32)

    plsc.subcore_barrier()

    base = wid * (CH * K)
    def _chunk(j, carry):
        off = base + j * K
        pltpu.sync_copy(cidx_hbm.at[pl.ds(off, K)], cidx_v)
        pltpu.sync_copy(ridx_hbm.at[pl.ds(off, K)], ridx_v)
        pltpu.async_copy(h_hbm.at[cidx_v], rows_v, sem).wait()
        pltpu.sync_copy(rows_v, agg_sh.at[ridx_v], add=True)
        pltpu.sync_copy(ones_v, deg_sh.at[ridx_v], add=True)
        return carry
    lax.fori_loop(0, CH, _chunk, 0)

    plsc.subcore_barrier()

    def _out_chunk(k, carry):
        row0 = base_row + k * K
        for g in range(K // 16):
            ridx_v[pl.ds(g * 16, 16)] = row0 + g * 16 + lax.iota(jnp.int32, 16)
        pltpu.sync_copy(agg_sh.at[ridx_v], rows_v)
        pltpu.sync_copy(rows_v, agg_hbm.at[pl.ds(c * ROWS + row0, K)])
        pltpu.sync_copy(deg_sh.at[ridx_v], ones_v)
        pltpu.sync_copy(ones_v, deg_hbm.at[pl.ds(c * ROWS + row0, K)])
        return carry
    lax.fori_loop(0, RCH, _out_chunk, 0)


_BR = 400


def _tc_body(h_ref, a0_ref, a1_ref, d0_ref, d1_ref, w_ref, b_ref, o_ref):
    a = a0_ref[...] + a1_ref[...]
    deg = d0_ref[...] + d1_ref[...]
    agg = jnp.where(deg > 0.0, a / jnp.maximum(deg, 1.0), 0.0)
    x = h_ref[...] + agg
    o_ref[...] = lax.dot_general(
        x, w_ref[...], (((1,), (1,)), ((), ())),
        precision=lax.Precision.HIGHEST) + b_ref[...]


def _tc_linear(h, a0, a1, d0, d1, W, b2):
    grid = (N // _BR,)
    return pl.pallas_call(
        _tc_body,
        grid=grid,
        in_specs=[
            pl.BlockSpec((_BR, D), lambda i: (i, 0)),
            pl.BlockSpec((_BR, D), lambda i: (i, 0)),
            pl.BlockSpec((_BR, D), lambda i: (i, 0)),
            pl.BlockSpec((_BR, 1), lambda i: (i, 0)),
            pl.BlockSpec((_BR, 1), lambda i: (i, 0)),
            pl.BlockSpec((D, D), lambda i: (0, 0)),
            pl.BlockSpec((1, D), lambda i: (0, 0)),
        ],
        out_specs=pl.BlockSpec((_BR, D), lambda i: (i, 0)),
        out_shape=jax.ShapeDtypeStruct((N, D), jnp.float32),
    )(h, a0, a1, d0, d1, W, b2)


def kernel(h, edge_index, W, b):
    e = edge_index.astype(jnp.int32)
    keys = jnp.sort(jnp.concatenate([e[0] * N + e[1], e[1] * N + e[0]]))
    valid = jnp.concatenate(
        [jnp.ones((1,), jnp.bool_), keys[1:] != keys[:-1]])
    r = keys // N
    cc = keys - r * N
    ridx = jnp.where(valid, r, TRASH)
    cidx = jnp.where(valid, cc, 0)
    pad = SLOTS - 2 * E
    ridx = jnp.concatenate([ridx, jnp.full((pad,), TRASH, jnp.int32)])
    cidx = jnp.concatenate([cidx, jnp.zeros((pad,), jnp.int32)])

    agg_flat, deg_flat = _sc_aggregate(h, cidx, ridx)

    agg2 = agg_flat.reshape(NC, ROWS, D)
    deg2 = deg_flat.reshape(NC, ROWS)[:, :N]
    return _tc_linear(h, agg2[0, :N], agg2[1, :N],
                      deg2[0].reshape(N, 1), deg2[1].reshape(N, 1),
                      W, b.reshape(1, D))

# --- scband reference (transcript-rebuilt; emitter-appended) ---
"""Pipeline reference for scband-layer-15625091023064 (READ-ONLY COPY).

The authoritative reference and input builder live on the scoring server;
editing this copy changes nothing except your own understanding.
"""

import jax, jax.numpy as jnp
import numpy as np

N_NODES = 10000
D_FEAT = 128
N_EDGES = 160000
D_OUT = 128

def setup_inputs(seed: int = 0) -> dict:
    key = jax.random.key(seed)
    k1, k2, k3, k4 = jax.random.split(key, 4)
    h = jax.random.normal(k1, (N_NODES, D_FEAT), dtype=jnp.float32)
    edge_index = jax.random.randint(k2, (2, N_EDGES), 0, N_NODES, dtype=jnp.int64)
    bound = 1.0 / np.sqrt(D_FEAT)
    W = jax.random.uniform(k3, (D_OUT, D_FEAT), dtype=jnp.float32, minval=-bound, maxval=bound)
    b = jax.random.uniform(k4, (D_OUT,), dtype=jnp.float32, minval=-bound, maxval=bound)
    return {"h": h, "edge_index": edge_index, "W": W, "b": b}

def reference(h, edge_index, W, b):
    # Build symmetric dense adjacency with set semantics (duplicates collapse),
    # matching torch: adj[src,dst]=1; adj[dst,src]=1
    N = h.shape[0]
    adj = jnp.zeros((N, N), dtype=jnp.float32)
    adj = adj.at[edge_index[0], edge_index[1]].set(1.0)
    adj = adj.at[edge_index[1], edge_index[0]].set(1.0)
    deg = jnp.sum(adj, axis=1)
    agg_sum = adj @ h
    # mean aggregation over neighbor set; nodes with no neighbors get zeros
    agg = jnp.where(deg[:, None] > 0, agg_sum / jnp.maximum(deg, 1.0)[:, None], jnp.zeros_like(agg_sum))
    combined = h + agg
    return combined @ W.T + b

if __name__ == "__main__":
    import jax
    _d = setup_inputs()
    print(jax.jit(kernel)(*tuple(_d.values())))

</pallas_src>

<mosaic_0001>
#map = affine_map<(d0, d1) -> (0, 0)>
#map1 = affine_map<(d0, d1) -> (0)>
module attributes {stable_mosaic.version = 14 : i64} {
  func.func @_sc_aggregate(%arg0: i32, %arg1: i32, %arg2: memref<10000x128xf32, #tpu.memory_space<hbm>>, %arg3: memref<323584xi32, #tpu.memory_space<hbm>>, %arg4: memref<323584xi32, #tpu.memory_space<hbm>>, %arg5: memref<20480x128xf32, #tpu.memory_space<hbm>>, %arg6: memref<20480xf32, #tpu.memory_space<hbm>>, %arg7: memref<128xi32, #tpu.memory_space<vmem>>, %arg8: memref<128xi32, #tpu.memory_space<vmem>>, %arg9: memref<128xf32, #tpu.memory_space<vmem>>, %arg10: memref<128x128xf32, #tpu.memory_space<vmem>>, %arg11: memref<10240x128xf32, #tpu.memory_space<vmem_shared>>, %arg12: memref<10240xf32, #tpu.memory_space<vmem_shared>>, %arg13: memref<!tpu.dma_semaphore, #tpu.memory_space<semaphore_mem>>) attributes {dimension_semantics = [#tpu.dimension_semantics<core_parallel>, #tpu.dimension_semantics<subcore_parallel>], iteration_bounds = array<i64: 2, 16>, scalar_prefetch = 0 : i64, scratch_operands = 7 : i64, tpu.core_type = #tpu.core_type<sc_vector_subcore>, window_params = [{transform_indices = #map}, {transform_indices = #map1}, {transform_indices = #map1}, {transform_indices = #map}, {transform_indices = #map1}]} {
    %mul3A = arith.constant 16 : i32
    %mul3A_0 = arith.muli %arg0, %mul3A : i32
    %add3A = arith.addi %mul3A_0, %arg1 : i32
    %scan3A = arith.constant 0 : i32
    %scan3A_1 = arith.constant 0 : i32
    %scan3A_2 = arith.constant 128 : i32
    %scan3A_3 = arith.addi %scan3A_1, %scan3A_2 : i32
    %scan3A_4 = arith.constant 1 : i32
    scf.for %scan3A_123 = %scan3A_1 to %scan3A_3 step %scan3A_4  : i32 {
      %broadcast_in_dim3A_124 = arith.constant 0.000000e+00 : f32
      %broadcast_in_dim3A_125 = vector.broadcast %broadcast_in_dim3A_124 : f32 to vector<16xf32>
      %swap3A_126 = arith.index_cast %scan3A_123 : i32 to index
      %swap3A_127 = arith.constant 0 : index
      %swap3A_128 = tpu.vector_load %arg10[%swap3A_126, %swap3A_127] {strides = array<i32>} : memref<128x128xf32, #tpu.memory_space<vmem>>, vector<1x16xf32>,
      %swap3A_129 = vector.shape_cast %swap3A_128 : vector<1x16xf32> to vector<16xf32>
      %swap3A_130 = vector.shape_cast %broadcast_in_dim3A_125 : vector<16xf32> to vector<1x16xf32>
      tpu.vector_store %arg10[%swap3A_126, %swap3A_127], %swap3A_130 {strides = array<i32>} : memref<128x128xf32, #tpu.memory_space<vmem>>, vector<1x16xf32>,
      %broadcast_in_dim3A_131 = arith.constant 0.000000e+00 : f32
      %broadcast_in_dim3A_132 = vector.broadcast %broadcast_in_dim3A_131 : f32 to vector<16xf32>
      %swap3A_133 = arith.index_cast %scan3A_123 : i32 to index
      %swap3A_134 = arith.constant 16 : index
      %swap3A_135 = tpu.vector_load %arg10[%swap3A_133, %swap3A_134] {strides = array<i32>} : memref<128x128xf32, #tpu.memory_space<vmem>>, vector<1x16xf32>,
      %swap3A_136 = vector.shape_cast %swap3A_135 : vector<1x16xf32> to vector<16xf32>
      %swap3A_137 = vector.shape_cast %broadcast_in_dim3A_132 : vector<16xf32> to vector<1x16xf32>
      tpu.vector_store %arg10[%swap3A_133, %swap3A_134], %swap3A_137 {strides = array<i32>} : memref<128x128xf32, #tpu.memory_space<vmem>>, vector<1x16xf32>,
      %broadcast_in_dim3A_138 = arith.constant 0.000000e+00 : f32
      %broadcast_in_dim3A_139 = vector.broadcast %broadcast_in_dim3A_138 : f32 to vector<16xf32>
      %swap3A_140 = arith.index_cast %scan3A_123 : i32 to index
      %swap3A_141 = arith.constant 32 : index
      %swap3A_142 = tpu.vector_load %arg10[%swap3A_140, %swap3A_141] {strides = array<i32>} : memref<128x128xf32, #tpu.memory_space<vmem>>, vector<1x16xf32>,
      %swap3A_143 = vector.shape_cast %swap3A_142 : vector<1x16xf32> to vector<16xf32>
      %swap3A_144 = vector.shape_cast %broadcast_in_dim3A_139 : vector<16xf32> to vector<1x16xf32>
      tpu.vector_store %arg10[%swap3A_140, %swap3A_141], %swap3A_144 {strides = array<i32>} : memref<128x128xf32, #tpu.memory_space<vmem>>, vector<1x16xf32>,
      %broadcast_in_dim3A_145 = arith.constant 0.000000e+00 : f32
      %broadcast_in_dim3A_146 = vector.broadcast %broadcast_in_dim3A_145 : f32 to vector<16xf32>
      %swap3A_147 = arith.index_cast %scan3A_123 : i32 to index
      %swap3A_148 = arith.constant 48 : index
      %swap3A_149 = tpu.vector_load %arg10[%swap3A_147, %swap3A_148] {strides = array<i32>} : memref<128x128xf32, #tpu.memory_space<vmem>>, vector<1x16xf32>,
      %swap3A_150 = vector.shape_cast %swap3A_149 : vector<1x16xf32> to vector<16xf32>
      %swap3A_151 = vector.shape_cast %broadcast_in_dim3A_146 : vector<16xf32> to vector<1x16xf32>
      tpu.vector_store %arg10[%swap3A_147, %swap3A_148], %swap3A_151 {strides = array<i32>} : memref<128x128xf32, #tpu.memory_space<vmem>>, vector<1x16xf32>,
      %broadcast_in_dim3A_152 = arith.constant 0.000000e+00 : f32
      %broadcast_in_dim3A_153 = vector.broadcast %broadcast_in_dim3A_152 : f32 to vector<16xf32>
      %swap3A_154 = arith.index_cast %scan3A_123 : i32 to index
      %swap3A_155 = arith.constant 64 : index
      %swap3A_156 = tpu.vector_load %arg10[%swap3A_154, %swap3A_155] {strides = array<i32>} : memref<128x128xf32, #tpu.memory_space<vmem>>, vector<1x16xf32>,
      %swap3A_157 = vector.shape_cast %swap3A_156 : vector<1x16xf32> to vector<16xf32>
      %swap3A_158 = vector.shape_cast %broadcast_in_dim3A_153 : vector<16xf32> to vector<1x16xf32>
      tpu.vector_store %arg10[%swap3A_154, %swap3A_155], %swap3A_158 {strides = array<i32>} : memref<128x128xf32, #tpu.memory_space<vmem>>, vector<1x16xf32>,
      %broadcast_in_dim3A_159 = arith.constant 0.000000e+00 : f32
      %broadcast_in_dim3A_160 = vector.broadcast %broadcast_in_dim3A_159 : f32 to vector<16xf32>
      %swap3A_161 = arith.index_cast %scan3A_123 : i32 to index
      %swap3A_162 = arith.constant 80 : index
      %swap3A_163 = tpu.vector_load %arg10[%swap3A_161, %swap3A_162] {strides = array<i32>} : memref<128x128xf32, #tpu.memory_space<vmem>>, vector<1x16xf32>,
      %swap3A_164 = vector.shape_cast %swap3A_163 : vector<1x16xf32> to vector<16xf32>
      %swap3A_165 = vector.shape_cast %broadcast_in_dim3A_160 : vector<16xf32> to vector<1x16xf32>
      tpu.vector_store %arg10[%swap3A_161, %swap3A_162], %swap3A_165 {strides = array<i32>} : memref<128x128xf32, #tpu.memory_space<vmem>>, vector<1x16xf32>,
      %broadcast_in_dim3A_166 = arith.constant 0.000000e+00 : f32
      %broadcast_in_dim3A_167 = vector.broadcast %broadcast_in_dim3A_166 : f32 to vector<16xf32>
      %swap3A_168 = arith.index_cast %scan3A_123 : i32 to index
      %swap3A_169 = arith.constant 96 : index
      %swap3A_170 = tpu.vector_load %arg10[%swap3A_168, %swap3A_169] {strides = array<i32>} : memref<128x128xf32, #tpu.memory_space<vmem>>, vector<1x16xf32>,
      %swap3A_171 = vector.shape_cast %swap3A_170 : vector<1x16xf32> to vector<16xf32>
      %swap3A_172 = vector.shape_cast %broadcast_in_dim3A_167 : vector<16xf32> to vector<1x16xf32>
      tpu.vector_store %arg10[%swap3A_168, %swap3A_169], %swap3A_172 {strides = array<i32>} : memref<128x128xf32, #tpu.memory_space<vmem>>, vector<1x16xf32>,
      %broadcast_in_dim3A_173 = arith.constant 0.000000e+00 : f32
      %broadcast_in_dim3A_174 = vector.broadcast %broadcast_in_dim3A_173 : f32 to vector<16xf32>
      %swap3A_175 = arith.index_cast %scan3A_123 : i32 to index
      %swap3A_176 = arith.constant 112 : index
      %swap3A_177 = tpu.vector_load %arg10[%swap3A_175, %swap3A_176] {strides = array<i32>} : memref<128x128xf32, #tpu.memory_space<vmem>>, vector<1x16xf32>,
      %swap3A_178 = vector.shape_cast %swap3A_177 : vector<1x16xf32> to vector<16xf32>
      %swap3A_179 = vector.shape_cast %broadcast_in_dim3A_174 : vector<16xf32> to vector<1x16xf32>
      tpu.vector_store %arg10[%swap3A_175, %swap3A_176], %swap3A_179 {strides = array<i32>} : memref<128x128xf32, #tpu.memory_space<vmem>>, vector<1x16xf32>,
    }
    %scan3A_5 = arith.constant 128 : i32
    %broadcast_in_dim3A = arith.constant 0.000000e+00 : f32
    %broadcast_in_dim3A_6 = vector.broadcast %broadcast_in_dim3A : f32 to vector<16xf32>
    %swap3A = arith.constant 0 : index
    %swap3A_7 = tpu.vector_load %arg9[%swap3A] {strides = array<i32>} : memref<128xf32, #tpu.memory_space<vmem>>, vector<16xf32>,
    %swap3A_8 = vector.shape_cast %swap3A_7 : vector<16xf32> to vector<16xf32>
    %swap3A_9 = vector.shape_cast %broadcast_in_dim3A_6 : vector<16xf32> to vector<16xf32>
    tpu.vector_store %arg9[%swap3A], %swap3A_9 {strides = array<i32>} : memref<128xf32, #tpu.memory_space<vmem>>, vector<16xf32>,
    %broadcast_in_dim3A_10 = arith.constant 0.000000e+00 : f32
    %broadcast_in_dim3A_11 = vector.broadcast %broadcast_in_dim3A_10 : f32 to vector<16xf32>
    %swap3A_12 = arith.constant 16 : index
    %swap3A_13 = tpu.vector_load %arg9[%swap3A_12] {strides = array<i32>} : memref<128xf32, #tpu.memory_space<vmem>>, vector<16xf32>,
    %swap3A_14 = vector.shape_cast %swap3A_13 : vector<16xf32> to vector<16xf32>
    %swap3A_15 = vector.shape_cast %broadcast_in_dim3A_11 : vector<16xf32> to vector<16xf32>
    tpu.vector_store %arg9[%swap3A_12], %swap3A_15 {strides = array<i32>} : memref<128xf32, #tpu.memory_space<vmem>>, vector<16xf32>,
    %broadcast_in_dim3A_16 = arith.constant 0.000000e+00 : f32
    %broadcast_in_dim3A_17 = vector.broadcast %broadcast_in_dim3A_16 : f32 to vector<16xf32>
    %swap3A_18 = arith.constant 32 : index
    %swap3A_19 = tpu.vector_load %arg9[%swap3A_18] {strides = array<i32>} : memref<128xf32, #tpu.memory_space<vmem>>, vector<16xf32>,
    %swap3A_20 = vector.shape_cast %swap3A_19 : vector<16xf32> to vector<16xf32>
    %swap3A_21 = vector.shape_cast %broadcast_in_dim3A_17 : vector<16xf32> to vector<16xf32>
    tpu.vector_store %arg9[%swap3A_18], %swap3A_21 {strides = array<i32>} : memref<128xf32, #tpu.memory_space<vmem>>, vector<16xf32>,
    %broadcast_in_dim3A_22 = arith.constant 0.000000e+00 : f32
    %broadcast_in_dim3A_23 = vector.broadcast %broadcast_in_dim3A_22 : f32 to vector<16xf32>
    %swap3A_24 = arith.constant 48 : index
    %swap3A_25 = tpu.vector_load %arg9[%swap3A_24] {strides = array<i32>} : memref<128xf32, #tpu.memory_space<vmem>>, vector<16xf32>,
    %swap3A_26 = vector.shape_cast %swap3A_25 : vector<16xf32> to vector<16xf32>
    %swap3A_27 = vector.shape_cast %broadcast_in_dim3A_23 : vector<16xf32> to vector<16xf32>
    tpu.vector_store %arg9[%swap3A_24], %swap3A_27 {strides = array<i32>} : memref<128xf32, #tpu.memory_space<vmem>>, vector<16xf32>,
    %broadcast_in_dim3A_28 = arith.constant 0.000000e+00 : f32
    %broadcast_in_dim3A_29 = vector.broadcast %broadcast_in_dim3A_28 : f32 to vector<16xf32>
    %swap3A_30 = arith.constant 64 : index
    %swap3A_31 = tpu.vector_load %arg9[%swap3A_30] {strides = array<i32>} : memref<128xf32, #tpu.memory_space<vmem>>, vector<16xf32>,
    %swap3A_32 = vector.shape_cast %swap3A_31 : vector<16xf32> to vector<16xf32>
    %swap3A_33 = vector.shape_cast %broadcast_in_dim3A_29 : vector<16xf32> to vector<16xf32>
    tpu.vector_store %arg9[%swap3A_30], %swap3A_33 {strides = array<i32>} : memref<128xf32, #tpu.memory_space<vmem>>, vector<16xf32>,
    %broadcast_in_dim3A_34 = arith.constant 0.000000e+00 : f32
    %broadcast_in_dim3A_35 = vector.broadcast %broadcast_in_dim3A_34 : f32 to vector<16xf32>
    %swap3A_36 = arith.constant 80 : index
    %swap3A_37 = tpu.vector_load %arg9[%swap3A_36] {strides = array<i32>} : memref<128xf32, #tpu.memory_space<vmem>>, vector<16xf32>,
    %swap3A_38 = vector.shape_cast %swap3A_37 : vector<16xf32> to vector<16xf32>
    %swap3A_39 = vector.shape_cast %broadcast_in_dim3A_35 : vector<16xf32> to vector<16xf32>
    tpu.vector_store %arg9[%swap3A_36], %swap3A_39 {strides = array<i32>} : memref<128xf32, #tpu.memory_space<vmem>>, vector<16xf32>,
    %broadcast_in_dim3A_40 = arith.constant 0.000000e+00 : f32
    %broadcast_in_dim3A_41 = vector.broadcast %broadcast_in_dim3A_40 : f32 to vector<16xf32>
    %swap3A_42 = arith.constant 96 : index
    %swap3A_43 = tpu.vector_load %arg9[%swap3A_42] {strides = array<i32>} : memref<128xf32, #tpu.memory_space<vmem>>, vector<16xf32>,
    %swap3A_44 = vector.shape_cast %swap3A_43 : vector<16xf32> to vector<16xf32>
    %swap3A_45 = vector.shape_cast %broadcast_in_dim3A_41 : vector<16xf32> to vector<16xf32>
    tpu.vector_store %arg9[%swap3A_42], %swap3A_45 {strides = array<i32>} : memref<128xf32, #tpu.memory_space<vmem>>, vector<16xf32>,
    %broadcast_in_dim3A_46 = arith.constant 0.000000e+00 : f32
    %broadcast_in_dim3A_47 = vector.broadcast %broadcast_in_dim3A_46 : f32 to vector<16xf32>
    %swap3A_48 = arith.constant 112 : index
    %swap3A_49 = tpu.vector_load %arg9[%swap3A_48] {strides = array<i32>} : memref<128xf32, #tpu.memory_space<vmem>>, vector<16xf32>,
    %swap3A_50 = vector.shape_cast %swap3A_49 : vector<16xf32> to vector<16xf32>
    %swap3A_51 = vector.shape_cast %broadcast_in_dim3A_47 : vector<16xf32> to vector<16xf32>
    tpu.vector_store %arg9[%swap3A_48], %swap3A_51 {strides = array<i32>} : memref<128xf32, #tpu.memory_space<vmem>>, vector<16xf32>,
    %mul3A_52 = arith.constant 640 : i32
    %mul3A_53 = arith.muli %arg1, %mul3A_52 : i32
    %scan3A_54 = arith.constant 0 : i32
    %scan3A_55 = arith.constant 0 : i32
    %scan3A_56 = arith.constant 5 : i32
    %scan3A_57 = arith.addi %scan3A_55, %scan3A_56 : i32
    %scan3A_58 = arith.constant 1 : i32
    scf.for %scan3A_123 = %scan3A_55 to %scan3A_57 step %scan3A_58  : i32 {
      %mul3A_124 = arith.constant 128 : i32
      %mul3A_125 = arith.muli %scan3A_123, %mul3A_124 : i32
      %add3A_126 = arith.addi %mul3A_53, %mul3A_125 : i32
      %add3A_127 = arith.constant 0 : i32
      %add3A_128 = arith.addi %add3A_126, %add3A_127 : i32
      %iota3A = tpu.iota {dimensions = array<i32: 0>} : vector<16xi32>
      %add3A_129 = vector.broadcast %add3A_128 : i32 to vector<16xi32>
      %add3A_130 = arith.addi %add3A_129, %iota3A : vector<16xi32>
      %swap3A_131 = arith.constant 0 : index
      %swap3A_132 = tpu.vector_load %arg8[%swap3A_131] {strides = array<i32>} : memref<128xi32, #tpu.memory_space<vmem>>, vector<16xi32>,
      %swap3A_133 = vector.shape_cast %swap3A_132 : vector<16xi32> to vector<16xi32>
      %swap3A_134 = vector.shape_cast %add3A_130 : vector<16xi32> to vector<16xi32>
      tpu.vector_store %arg8[%swap3A_131], %swap3A_134 {strides = array<i32>} : memref<128xi32, #tpu.memory_space<vmem>>, vector<16xi32>,
      %add3A_135 = arith.constant 16 : i32
      %add3A_136 = arith.addi %add3A_126, %add3A_135 : i32
      %iota3A_137 = tpu.iota {dimensions = array<i32: 0>} : vector<16xi32>
      %add3A_138 = vector.broadcast %add3A_136 : i32 to vector<16xi32>
      %add3A_139 = arith.addi %add3A_138, %iota3A_137 : vector<16xi32>
      %swap3A_140 = arith.constant 16 : index
      %swap3A_141 = tpu.vector_load %arg8[%swap3A_140] {strides = array<i32>} : memref<128xi32, #tpu.memory_space<vmem>>, vector<16xi32>,
      %swap3A_142 = vector.shape_cast %swap3A_141 : vector<16xi32> to vector<16xi32>
      %swap3A_143 = vector.shape_cast %add3A_139 : vector<16xi32> to vector<16xi32>
      tpu.vector_store %arg8[%swap3A_140], %swap3A_143 {strides = array<i32>} : memref<128xi32, #tpu.memory_space<vmem>>, vector<16xi32>,
      %add3A_144 = arith.constant 32 : i32
      %add3A_145 = arith.addi %add3A_126, %add3A_144 : i32
      %iota3A_146 = tpu.iota {dimensions = array<i32: 0>} : vector<16xi32>
      %add3A_147 = vector.broadcast %add3A_145 : i32 to vector<16xi32>
      %add3A_148 = arith.addi %add3A_147, %iota3A_146 : vector<16xi32>
      %swap3A_149 = arith.constant 32 : index
      %swap3A_150 = tpu.vector_load %arg8[%swap3A_149] {strides = array<i32>} : memref<128xi32, #tpu.memory_space<vmem>>, vector<16xi32>,
      %swap3A_151 = vector.shape_cast %swap3A_150 : vector<16xi32> to vector<16xi32>
      %swap3A_152 = vector.shape_cast %add3A_148 : vector<16xi32> to vector<16xi32>
      tpu.vector_store %arg8[%swap3A_149], %swap3A_152 {strides = array<i32>} : memref<128xi32, #tpu.memory_space<vmem>>, vector<16xi32>,
      %add3A_153 = arith.constant 48 : i32
      %add3A_154 = arith.addi %add3A_126, %add3A_153 : i32
      %iota3A_155 = tpu.iota {dimensions = array<i32: 0>} : vector<16xi32>
      %add3A_156 = vector.broadcast %add3A_154 : i32 to vector<16xi32>
      %add3A_157 = arith.addi %add3A_156, %iota3A_155 : vector<16xi32>
      %swap3A_158 = arith.constant 48 : index
      %swap3A_159 = tpu.vector_load %arg8[%swap3A_158] {strides = array<i32>} : memref<128xi32, #tpu.memory_space<vmem>>, vector<16xi32>,
      %swap3A_160 = vector.shape_cast %swap3A_159 : vector<16xi32> to vector<16xi32>
      %swap3A_161 = vector.shape_cast %add3A_157 : vector<16xi32> to vector<16xi32>
      tpu.vector_store %arg8[%swap3A_158], %swap3A_161 {strides = array<i32>} : memref<128xi32, #tpu.memory_space<vmem>>, vector<16xi32>,
      %add3A_162 = arith.constant 64 : i32
      %add3A_163 = arith.addi %add3A_126, %add3A_162 : i32
      %iota3A_164 = tpu.iota {dimensions = array<i32: 0>} : vector<16xi32>
      %add3A_165 = vector.broadcast %add3A_163 : i32 to vector<16xi32>
      %add3A_166 = arith.addi %add3A_165, %iota3A_164 : vector<16xi32>
      %swap3A_167 = arith.constant 64 : index
      %swap3A_168 = tpu.vector_load %arg8[%swap3A_167] {strides = array<i32>} : memref<128xi32, #tpu.memory_space<vmem>>, vector<16xi32>,
      %swap3A_169 = vector.shape_cast %swap3A_168 : vector<16xi32> to vector<16xi32>
      %swap3A_170 = vector.shape_cast %add3A_166 : vector<16xi32> to vector<16xi32>
      tpu.vector_store %arg8[%swap3A_167], %swap3A_170 {strides = array<i32>} : memref<128xi32, #tpu.memory_space<vmem>>, vector<16xi32>,
      %add3A_171 = arith.constant 80 : i32
      %add3A_172 = arith.addi %add3A_126, %add3A_171 : i32
      %iota3A_173 = tpu.iota {dimensions = array<i32: 0>} : vector<16xi32>
      %add3A_174 = vector.broadcast %add3A_172 : i32 to vector<16xi32>
      %add3A_175 = arith.addi %add3A_174, %iota3A_173 : vector<16xi32>
      %swap3A_176 = arith.constant 80 : index
      %swap3A_177 = tpu.vector_load %arg8[%swap3A_176] {strides = array<i32>} : memref<128xi32, #tpu.memory_space<vmem>>, vector<16xi32>,
      %swap3A_178 = vector.shape_cast %swap3A_177 : vector<16xi32> to vector<16xi32>
      %swap3A_179 = vector.shape_cast %add3A_175 : vector<16xi32> to vector<16xi32>
      tpu.vector_store %arg8[%swap3A_176], %swap3A_179 {strides = array<i32>} : memref<128xi32, #tpu.memory_space<vmem>>, vector<16xi32>,
      %add3A_180 = arith.constant 96 : i32
      %add3A_181 = arith.addi %add3A_126, %add3A_180 : i32
      %iota3A_182 = tpu.iota {dimensions = array<i32: 0>} : vector<16xi32>
      %add3A_183 = vector.broadcast %add3A_181 : i32 to vector<16xi32>
      %add3A_184 = arith.addi %add3A_183, %iota3A_182 : vector<16xi32>
      %swap3A_185 = arith.constant 96 : index
      %swap3A_186 = tpu.vector_load %arg8[%swap3A_185] {strides = array<i32>} : memref<128xi32, #tpu.memory_space<vmem>>, vector<16xi32>,
      %swap3A_187 = vector.shape_cast %swap3A_186 : vector<16xi32> to vector<16xi32>
      %swap3A_188 = vector.shape_cast %add3A_184 : vector<16xi32> to vector<16xi32>
      tpu.vector_store %arg8[%swap3A_185], %swap3A_188 {strides = array<i32>} : memref<128xi32, #tpu.memory_space<vmem>>, vector<16xi32>,
      %add3A_189 = arith.constant 112 : i32
      %add3A_190 = arith.addi %add3A_126, %add3A_189 : i32
      %iota3A_191 = tpu.iota {dimensions = array<i32: 0>} : vector<16xi32>
      %add3A_192 = vector.broadcast %add3A_190 : i32 to vector<16xi32>
      %add3A_193 = arith.addi %add3A_192, %iota3A_191 : vector<16xi32>
      %swap3A_194 = arith.constant 112 : index
      %swap3A_195 = tpu.vector_load %arg8[%swap3A_194] {strides = array<i32>} : memref<128xi32, #tpu.memory_space<vmem>>, vector<16xi32>,
      %swap3A_196 = vector.shape_cast %swap3A_195 : vector<16xi32> to vector<16xi32>
      %swap3A_197 = vector.shape_cast %add3A_193 : vector<16xi32> to vector<16xi32>
      tpu.vector_store %arg8[%swap3A_194], %swap3A_197 {strides = array<i32>} : memref<128xi32, #tpu.memory_space<vmem>>, vector<16xi32>,
      "tpu.region"() ({
        %run_scoped3A = tpu.sem_alloc : memref<!tpu.dma_semaphore, #tpu.memory_space<semaphore_mem>>
        %dma_start3A = arith.constant 0 : i32
        %dma_start3A_198 = arith.constant 0 : i32
        %dma_start3A_199 = tpu.memref_slice %arg11[%dma_start3A, %dma_start3A_198] : memref<10240x128xf32, #tpu.memory_space<vmem_shared>> -> memref<10240x128xf32, #tpu.memory_space<vmem_shared>>
        tpu.enqueue_indirect_dma source(%arg10 : memref<128x128xf32, #tpu.memory_space<vmem>>) target(%dma_start3A_199 : memref<10240x128xf32, #tpu.memory_space<vmem_shared>>) offsets(%arg8 : memref<128xi32, #tpu.memory_space<vmem>>) semaphore(%run_scoped3A : memref<!tpu.dma_semaphore, #tpu.memory_space<semaphore_mem>>)
        %dma_wait3A = arith.constant 0 : i32
        %dma_wait3A_200 = arith.constant 0 : i32
        %dma_wait3A_201 = tpu.memref_slice %arg11[%dma_wait3A, %dma_wait3A_200] : memref<10240x128xf32, #tpu.memory_space<vmem_shared>> -> memref<10240x128xf32, #tpu.memory_space<vmem_shared>>
        tpu.wait_indirect_dma semaphore(%run_scoped3A : memref<!tpu.dma_semaphore, #tpu.memory_space<semaphore_mem>>) src(%arg10 : memref<128x128xf32, #tpu.memory_space<vmem>>) dst(%dma_wait3A_201 : memref<10240x128xf32, #tpu.memory_space<vmem_shared>>)
        tpu.yield
      }) : () -> ()
      "tpu.region"() ({
        %run_scoped3A = tpu.sem_alloc : memref<!tpu.dma_semaphore, #tpu.memory_space<semaphore_mem>>
        %dma_start3A = arith.constant 0 : i32
        %dma_start3A_198 = tpu.memref_slice %arg12[%dma_start3A] : memref<10240xf32, #tpu.memory_space<vmem_shared>> -> memref<10240xf32, #tpu.memory_space<vmem_shared>>
        tpu.enqueue_indirect_dma source(%arg9 : memref<128xf32, #tpu.memory_space<vmem>>) target(%dma_start3A_198 : memref<10240xf32, #tpu.memory_space<vmem_shared>>) offsets(%arg8 : memref<128xi32, #tpu.memory_space<vmem>>) semaphore(%run_scoped3A : memref<!tpu.dma_semaphore, #tpu.memory_space<semaphore_mem>>)
        %dma_wait3A = arith.constant 0 : i32
        %dma_wait3A_199 = tpu.memref_slice %arg12[%dma_wait3A] : memref<10240xf32, #tpu.memory_space<vmem_shared>> -> memref<10240xf32, #tpu.memory_space<vmem_shared>>
        tpu.wait_indirect_dma semaphore(%run_scoped3A : memref<!tpu.dma_semaphore, #tpu.memory_space<semaphore_mem>>) src(%arg9 : memref<128xf32, #tpu.memory_space<vmem>>) dst(%dma_wait3A_199 : memref<10240xf32, #tpu.memory_space<vmem_shared>>)
        tpu.yield
      }) : () -> ()
    }
    %scan3A_59 = arith.constant 5 : i32
    %broadcast_in_dim3A_60 = arith.constant 1.000000e+00 : f32
    %broadcast_in_dim3A_61 = vector.broadcast %broadcast_in_dim3A_60 : f32 to vector<16xf32>
    %swap3A_62 = arith.constant 0 : index
    %swap3A_63 = tpu.vector_load %arg9[%swap3A_62] {strides = array<i32>} : memref<128xf32, #tpu.memory_space<vmem>>, vector<16xf32>,
    %swap3A_64 = vector.shape_cast %swap3A_63 : vector<16xf32> to vector<16xf32>
    %swap3A_65 = vector.shape_cast %broadcast_in_dim3A_61 : vector<16xf32> to vector<16xf32>
    tpu.vector_store %arg9[%swap3A_62], %swap3A_65 {strides = array<i32>} : memref<128xf32, #tpu.memory_space<vmem>>, vector<16xf32>,
    %broadcast_in_dim3A_66 = arith.constant 1.000000e+00 : f32
    %broadcast_in_dim3A_67 = vector.broadcast %broadcast_in_dim3A_66 : f32 to vector<16xf32>
    %swap3A_68 = arith.constant 16 : index
    %swap3A_69 = tpu.vector_load %arg9[%swap3A_68] {strides = array<i32>} : memref<128xf32, #tpu.memory_space<vmem>>, vector<16xf32>,
    %swap3A_70 = vector.shape_cast %swap3A_69 : vector<16xf32> to vector<16xf32>
    %swap3A_71 = vector.shape_cast %broadcast_in_dim3A_67 : vector<16xf32> to vector<16xf32>
    tpu.vector_store %arg9[%swap3A_68], %swap3A_71 {strides = array<i32>} : memref<128xf32, #tpu.memory_space<vmem>>, vector<16xf32>,
    %broadcast_in_dim3A_72 = arith.constant 1.000000e+00 : f32
    %broadcast_in_dim3A_73 = vector.broadcast %broadcast_in_dim3A_72 : f32 to vector<16xf32>
    %swap3A_74 = arith.constant 32 : index
    %swap3A_75 = tpu.vector_load %arg9[%swap3A_74] {strides = array<i32>} : memref<128xf32, #tpu.memory_space<vmem>>, vector<16xf32>,
    %swap3A_76 = vector.shape_cast %swap3A_75 : vector<16xf32> to vector<16xf32>
    %swap3A_77 = vector.shape_cast %broadcast_in_dim3A_73 : vector<16xf32> to vector<16xf32>
    tpu.vector_store %arg9[%swap3A_74], %swap3A_77 {strides = array<i32>} : memref<128xf32, #tpu.memory_space<vmem>>, vector<16xf32>,
    %broadcast_in_dim3A_78 = arith.constant 1.000000e+00 : f32
    %broadcast_in_dim3A_79 = vector.broadcast %broadcast_in_dim3A_78 : f32 to vector<16xf32>
    %swap3A_80 = arith.constant 48 : index
    %swap3A_81 = tpu.vector_load %arg9[%swap3A_80] {strides = array<i32>} : memref<128xf32, #tpu.memory_space<vmem>>, vector<16xf32>,
    %swap3A_82 = vector.shape_cast %swap3A_81 : vector<16xf32> to vector<16xf32>
    %swap3A_83 = vector.shape_cast %broadcast_in_dim3A_79 : vector<16xf32> to vector<16xf32>
    tpu.vector_store %arg9[%swap3A_80], %swap3A_83 {strides = array<i32>} : memref<128xf32, #tpu.memory_space<vmem>>, vector<16xf32>,
    %broadcast_in_dim3A_84 = arith.constant 1.000000e+00 : f32
    %broadcast_in_dim3A_85 = vector.broadcast %broadcast_in_dim3A_84 : f32 to vector<16xf32>
    %swap3A_86 = arith.constant 64 : index
    %swap3A_87 = tpu.vector_load %arg9[%swap3A_86] {strides = array<i32>} : memref<128xf32, #tpu.memory_space<vmem>>, vector<16xf32>,
    %swap3A_88 = vector.shape_cast %swap3A_87 : vector<16xf32> to vector<16xf32>
    %swap3A_89 = vector.shape_cast %broadcast_in_dim3A_85 : vector<16xf32> to vector<16xf32>
    tpu.vector_store %arg9[%swap3A_86], %swap3A_89 {strides = array<i32>} : memref<128xf32, #tpu.memory_space<vmem>>, vector<16xf32>,
    %broadcast_in_dim3A_90 = arith.constant 1.000000e+00 : f32
    %broadcast_in_dim3A_91 = vector.broadcast %broadcast_in_dim3A_90 : f32 to vector<16xf32>
    %swap3A_92 = arith.constant 80 : index
    %swap3A_93 = tpu.vector_load %arg9[%swap3A_92] {strides = array<i32>} : memref<128xf32, #tpu.memory_space<vmem>>, vector<16xf32>,
    %swap3A_94 = vector.shape_cast %swap3A_93 : vector<16xf32> to vector<16xf32>
    %swap3A_95 = vector.shape_cast %broadcast_in_dim3A_91 : vector<16xf32> to vector<16xf32>
    tpu.vector_store %arg9[%swap3A_92], %swap3A_95 {strides = array<i32>} : memref<128xf32, #tpu.memory_space<vmem>>, vector<16xf32>,
    %broadcast_in_dim3A_96 = arith.constant 1.000000e+00 : f32
    %broadcast_in_dim3A_97 = vector.broadcast %broadcast_in_dim3A_96 : f32 to vector<16xf32>
    %swap3A_98 = arith.constant 96 : index
    %swap3A_99 = tpu.vector_load %arg9[%swap3A_98] {strides = array<i32>} : memref<128xf32, #tpu.memory_space<vmem>>, vector<16xf32>,
    %swap3A_100 = vector.shape_cast %swap3A_99 : vector<16xf32> to vector<16xf32>
    %swap3A_101 = vector.shape_cast %broadcast_in_dim3A_97 : vector<16xf32> to vector<16xf32>
    tpu.vector_store %arg9[%swap3A_98], %swap3A_101 {strides = array<i32>} : memref<128xf32, #tpu.memory_space<vmem>>, vector<16xf32>,
    %broadcast_in_dim3A_102 = arith.constant 1.000000e+00 : f32
    %broadcast_in_dim3A_103 = vector.broadcast %broadcast_in_dim3A_102 : f32 to vector<16xf32>
    %swap3A_104 = arith.constant 112 : index
    %swap3A_105 = tpu.vector_load %arg9[%swap3A_104] {strides = array<i32>} : memref<128xf32, #tpu.memory_space<vmem>>, vector<16xf32>,
    %swap3A_106 = vector.shape_cast %swap3A_105 : vector<16xf32> to vector<16xf32>
    %swap3A_107 = vector.shape_cast %broadcast_in_dim3A_103 : vector<16xf32> to vector<16xf32>
    tpu.vector_store %arg9[%swap3A_104], %swap3A_107 {strides = array<i32>} : memref<128xf32, #tpu.memory_space<vmem>>, vector<16xf32>,
    %barrier3A = arith.constant 0 : index
    tpu.barrier barrier_id(%barrier3A)
    %mul3A_108 = arith.constant 10112 : i32
    %mul3A_109 = arith.muli %add3A, %mul3A_108 : i32
    %scan3A_110 = arith.constant 0 : i32
    %scan3A_111 = arith.constant 0 : i32
    %scan3A_112 = arith.constant 79 : i32
    %scan3A_113 = arith.addi %scan3A_111, %scan3A_112 : i32
    %scan3A_114 = arith.constant 1 : i32
    scf.for %scan3A_123 = %scan3A_111 to %scan3A_113 step %scan3A_114  : i32 {
      %mul3A_124 = arith.constant 128 : i32
      %mul3A_125 = arith.muli %scan3A_123, %mul3A_124 : i32
      %add3A_126 = arith.addi %mul3A_109, %mul3A_125 : i32
      "tpu.region"() ({
        %run_scoped3A = tpu.sem_alloc : memref<!tpu.dma_semaphore, #tpu.memory_space<semaphore_mem>>
        %dma_start3A_131 = tpu.memref_slice %arg3[%add3A_126] : memref<323584xi32, #tpu.memory_space<hbm>> -> memref<128xi32, #tpu.memory_space<hbm>>
        %dma_start3A_132 = tpu.memref_slice %arg3[%add3A_126] : memref<323584xi32, #tpu.memory_space<hbm>> -> memref<128xi32, #tpu.memory_space<hbm>>
        tpu.enqueue_dma source(%dma_start3A_132 : memref<128xi32, #tpu.memory_space<hbm>>) target(%arg7 : memref<128xi32, #tpu.memory_space<vmem>>) target_semaphore(%run_scoped3A : memref<!tpu.dma_semaphore, #tpu.memory_space<semaphore_mem>>)
        %dma_wait3A_133 = tpu.memref_slice %arg3[%add3A_126] : memref<323584xi32, #tpu.memory_space<hbm>> -> memref<128xi32, #tpu.memory_space<hbm>>
        %dma_wait3A_134 = tpu.memref_slice %arg3[%add3A_126] : memref<323584xi32, #tpu.memory_space<hbm>> -> memref<128xi32, #tpu.memory_space<hbm>>
        tpu.wait_dma2 semaphore(%run_scoped3A : memref<!tpu.dma_semaphore, #tpu.memory_space<semaphore_mem>>) src(%dma_wait3A_134 : memref<128xi32, #tpu.memory_space<hbm>>) dst(%arg7 : memref<128xi32, #tpu.memory_space<vmem>>)
        tpu.yield
      }) : () -> ()
      "tpu.region"() ({
        %run_scoped3A = tpu.sem_alloc : memref<!tpu.dma_semaphore, #tpu.memory_space<semaphore_mem>>
        %dma_start3A_131 = tpu.memref_slice %arg4[%add3A_126] : memref<323584xi32, #tpu.memory_space<hbm>> -> memref<128xi32, #tpu.memory_space<hbm>>
        %dma_start3A_132 = tpu.memref_slice %arg4[%add3A_126] : memref<323584xi32, #tpu.memory_space<hbm>> -> memref<128xi32, #tpu.memory_space<hbm>>
        tpu.enqueue_dma source(%dma_start3A_132 : memref<128xi32, #tpu.memory_space<hbm>>) target(%arg8 : memref<128xi32, #tpu.memory_space<vmem>>) target_semaphore(%run_scoped3A : memref<!tpu.dma_semaphore, #tpu.memory_space<semaphore_mem>>)
        %dma_wait3A_133 = tpu.memref_slice %arg4[%add3A_126] : memref<323584xi32, #tpu.memory_space<hbm>> -> memref<128xi32, #tpu.memory_space<hbm>>
        %dma_wait3A_134 = tpu.memref_slice %arg4[%add3A_126] : memref<323584xi32, #tpu.memory_space<hbm>> -> memref<128xi32, #tpu.memory_space<hbm>>
        tpu.wait_dma2 semaphore(%run_scoped3A : memref<!tpu.dma_semaphore, #tpu.memory_space<semaphore_mem>>) src(%dma_wait3A_134 : memref<128xi32, #tpu.memory_space<hbm>>) dst(%arg8 : memref<128xi32, #tpu.memory_space<vmem>>)
        tpu.yield
      }) : () -> ()
      %dma_start3A = arith.constant 0 : i32
      %dma_start3A_127 = arith.constant 0 : i32
      %dma_start3A_128 = tpu.memref_slice %arg2[%dma_start3A, %dma_start3A_127] : memref<10000x128xf32, #tpu.memory_space<hbm>> -> memref<10000x128xf32, #tpu.memory_space<hbm>>
      tpu.enqueue_indirect_dma source(%dma_start3A_128 : memref<10000x128xf32, #tpu.memory_space<hbm>>) target(%arg10 : memref<128x128xf32, #tpu.memory_space<vmem>>) offsets(%arg7 : memref<128xi32, #tpu.memory_space<vmem>>) semaphore(%arg13 : memref<!tpu.dma_semaphore, #tpu.memory_space<semaphore_mem>>)
      %dma_wait3A = arith.constant 0 : i32
      %dma_wait3A_129 = arith.constant 0 : i32
      %dma_wait3A_130 = tpu.memref_slice %arg2[%dma_wait3A, %dma_wait3A_129] : memref<10000x128xf32, #tpu.memory_space<hbm>> -> memref<10000x128xf32, #tpu.memory_space<hbm>>
      tpu.wait_indirect_dma semaphore(%arg13 : memref<!tpu.dma_semaphore, #tpu.memory_space<semaphore_mem>>) src(%dma_wait3A_130 : memref<10000x128xf32, #tpu.memory_space<hbm>>) dst(%arg10 : memref<128x128xf32, #tpu.memory_space<vmem>>)
      "tpu.region"() ({
        %run_scoped3A = tpu.sem_alloc : memref<!tpu.dma_semaphore, #tpu.memory_space<semaphore_mem>>
        %dma_start3A_131 = arith.constant 0 : i32
        %dma_start3A_132 = arith.constant 0 : i32
        %dma_start3A_133 = tpu.memref_slice %arg11[%dma_start3A_131, %dma_start3A_132] : memref<10240x128xf32, #tpu.memory_space<vmem_shared>> -> memref<10240x128xf32, #tpu.memory_space<vmem_shared>>
        tpu.enqueue_indirect_dma source(%arg10 : memref<128x128xf32, #tpu.memory_space<vmem>>) target(%dma_start3A_133 : memref<10240x128xf32, #tpu.memory_space<vmem_shared>>) offsets(%arg8 : memref<128xi32, #tpu.memory_space<vmem>>) semaphore(%run_scoped3A : memref<!tpu.dma_semaphore, #tpu.memory_space<semaphore_mem>>) {add = true}
        %dma_wait3A_134 = arith.constant 0 : i32
        %dma_wait3A_135 = arith.constant 0 : i32
        %dma_wait3A_136 = tpu.memref_slice %arg11[%dma_wait3A_134, %dma_wait3A_135] : memref<10240x128xf32, #tpu.memory_space<vmem_shared>> -> memref<10240x128xf32, #tpu.memory_space<vmem_shared>>
        tpu.wait_indirect_dma semaphore(%run_scoped3A : memref<!tpu.dma_semaphore, #tpu.memory_space<semaphore_mem>>) src(%arg10 : memref<128x128xf32, #tpu.memory_space<vmem>>) dst(%dma_wait3A_136 : memref<10240x128xf32, #tpu.memory_space<vmem_shared>>)
        tpu.yield
      }) : () -> ()
      "tpu.region"() ({
        %run_scoped3A = tpu.sem_alloc : memref<!tpu.dma_semaphore, #tpu.memory_space<semaphore_mem>>
        %dma_start3A_131 = arith.constant 0 : i32
        %dma_start3A_132 = tpu.memref_slice %arg12[%dma_start3A_131] : memref<10240xf32, #tpu.memory_space<vmem_shared>> -> memref<10240xf32, #tpu.memory_space<vmem_shared>>
        tpu.enqueue_indirect_dma source(%arg9 : memref<128xf32, #tpu.memory_space<vmem>>) target(%dma_start3A_132 : memref<10240xf32, #tpu.memory_space<vmem_shared>>) offsets(%arg8 : memref<128xi32, #tpu.memory_space<vmem>>) semaphore(%run_scoped3A : memref<!tpu.dma_semaphore, #tpu.memory_space<semaphore_mem>>) {add = true}
        %dma_wait3A_133 = arith.constant 0 : i32
        %dma_wait3A_134 = tpu.memref_slice %arg12[%dma_wait3A_133] : memref<10240xf32, #tpu.memory_space<vmem_shared>> -> memref<10240xf32, #tpu.memory_space<vmem_shared>>
        tpu.wait_indirect_dma semaphore(%run_scoped3A : memref<!tpu.dma_semaphore, #tpu.memory_space<semaphore_mem>>) src(%arg9 : memref<128xf32, #tpu.memory_space<vmem>>) dst(%dma_wait3A_134 : memref<10240xf32, #tpu.memory_space<vmem_shared>>)
        tpu.yield
      }) : () -> ()
    }
    %scan3A_115 = arith.constant 79 : i32
    %barrier3A_116 = arith.constant 0 : index
    tpu.barrier barrier_id(%barrier3A_116)
    %scan3A_117 = arith.constant 0 : i32
    %scan3A_118 = arith.constant 0 : i32
    %scan3A_119 = arith.constant 5 : i32
    %scan3A_120 = arith.addi %scan3A_118, %scan3A_119 : i32
    %scan3A_121 = arith.constant 1 : i32
    scf.for %scan3A_123 = %scan3A_118 to %scan3A_120 step %scan3A_121  : i32 {
      %mul3A_124 = arith.constant 128 : i32
      %mul3A_125 = arith.muli %scan3A_123, %mul3A_124 : i32
      %add3A_126 = arith.addi %mul3A_53, %mul3A_125 : i32
      %add3A_127 = arith.constant 0 : i32
      %add3A_128 = arith.addi %add3A_126, %add3A_127 : i32
      %iota3A = tpu.iota {dimensions = array<i32: 0>} : vector<16xi32>
      %add3A_129 = vector.broadcast %add3A_128 : i32 to vector<16xi32>
      %add3A_130 = arith.addi %add3A_129, %iota3A : vector<16xi32>
      %swap3A_131 = arith.constant 0 : index
      %swap3A_132 = tpu.vector_load %arg8[%swap3A_131] {strides = array<i32>} : memref<128xi32, #tpu.memory_space<vmem>>, vector<16xi32>,
      %swap3A_133 = vector.shape_cast %swap3A_132 : vector<16xi32> to vector<16xi32>
      %swap3A_134 = vector.shape_cast %add3A_130 : vector<16xi32> to vector<16xi32>
      tpu.vector_store %arg8[%swap3A_131], %swap3A_134 {strides = array<i32>} : memref<128xi32, #tpu.memory_space<vmem>>, vector<16xi32>,
      %add3A_135 = arith.constant 16 : i32
      %add3A_136 = arith.addi %add3A_126, %add3A_135 : i32
      %iota3A_137 = tpu.iota {dimensions = array<i32: 0>} : vector<16xi32>
      %add3A_138 = vector.broadcast %add3A_136 : i32 to vector<16xi32>
      %add3A_139 = arith.addi %add3A_138, %iota3A_137 : vector<16xi32>
      %swap3A_140 = arith.constant 16 : index
      %swap3A_141 = tpu.vector_load %arg8[%swap3A_140] {strides = array<i32>} : memref<128xi32, #tpu.memory_space<vmem>>, vector<16xi32>,
      %swap3A_142 = vector.shape_cast %swap3A_141 : vector<16xi32> to vector<16xi32>
      %swap3A_143 = vector.shape_cast %add3A_139 : vector<16xi32> to vector<16xi32>
      tpu.vector_store %arg8[%swap3A_140], %swap3A_143 {strides = array<i32>} : memref<128xi32, #tpu.memory_space<vmem>>, vector<16xi32>,
      %add3A_144 = arith.constant 32 : i32
      %add3A_145 = arith.addi %add3A_126, %add3A_144 : i32
      %iota3A_146 = tpu.iota {dimensions = array<i32: 0>} : vector<16xi32>
      %add3A_147 = vector.broadcast %add3A_145 : i32 to vector<16xi32>
      %add3A_148 = arith.addi %add3A_147, %iota3A_146 : vector<16xi32>
      %swap3A_149 = arith.constant 32 : index
      %swap3A_150 = tpu.vector_load %arg8[%swap3A_149] {strides = array<i32>} : memref<128xi32, #tpu.memory_space<vmem>>, vector<16xi32>,
      %swap3A_151 = vector.shape_cast %swap3A_150 : vector<16xi32> to vector<16xi32>
      %swap3A_152 = vector.shape_cast %add3A_148 : vector<16xi32> to vector<16xi32>
      tpu.vector_store %arg8[%swap3A_149], %swap3A_152 {strides = array<i32>} : memref<128xi32, #tpu.memory_space<vmem>>, vector<16xi32>,
      %add3A_153 = arith.constant 48 : i32
      %add3A_154 = arith.addi %add3A_126, %add3A_153 : i32
      %iota3A_155 = tpu.iota {dimensions = array<i32: 0>} : vector<16xi32>
      %add3A_156 = vector.broadcast %add3A_154 : i32 to vector<16xi32>
      %add3A_157 = arith.addi %add3A_156, %iota3A_155 : vector<16xi32>
      %swap3A_158 = arith.constant 48 : index
      %swap3A_159 = tpu.vector_load %arg8[%swap3A_158] {strides = array<i32>} : memref<128xi32, #tpu.memory_space<vmem>>, vector<16xi32>,
      %swap3A_160 = vector.shape_cast %swap3A_159 : vector<16xi32> to vector<16xi32>
      %swap3A_161 = vector.shape_cast %add3A_157 : vector<16xi32> to vector<16xi32>
      tpu.vector_store %arg8[%swap3A_158], %swap3A_161 {strides = array<i32>} : memref<128xi32, #tpu.memory_space<vmem>>, vector<16xi32>,
      %add3A_162 = arith.constant 64 : i32
      %add3A_163 = arith.addi %add3A_126, %add3A_162 : i32
      %iota3A_164 = tpu.iota {dimensions = array<i32: 0>} : vector<16xi32>
      %add3A_165 = vector.broadcast %add3A_163 : i32 to vector<16xi32>
      %add3A_166 = arith.addi %add3A_165, %iota3A_164 : vector<16xi32>
      %swap3A_167 = arith.constant 64 : index
      %swap3A_168 = tpu.vector_load %arg8[%swap3A_167] {strides = array<i32>} : memref<128xi32, #tpu.memory_space<vmem>>, vector<16xi32>,
      %swap3A_169 = vector.shape_cast %swap3A_168 : vector<16xi32> to vector<16xi32>
      %swap3A_170 = vector.shape_cast %add3A_166 : vector<16xi32> to vector<16xi32>
      tpu.vector_store %arg8[%swap3A_167], %swap3A_170 {strides = array<i32>} : memref<128xi32, #tpu.memory_space<vmem>>, vector<16xi32>,
      %add3A_171 = arith.constant 80 : i32
      %add3A_172 = arith.addi %add3A_126, %add3A_171 : i32
      %iota3A_173 = tpu.iota {dimensions = array<i32: 0>} : vector<16xi32>
      %add3A_174 = vector.broadcast %add3A_172 : i32 to vector<16xi32>
      %add3A_175 = arith.addi %add3A_174, %iota3A_173 : vector<16xi32>
      %swap3A_176 = arith.constant 80 : index
      %swap3A_177 = tpu.vector_load %arg8[%swap3A_176] {strides = array<i32>} : memref<128xi32, #tpu.memory_space<vmem>>, vector<16xi32>,
      %swap3A_178 = vector.shape_cast %swap3A_177 : vector<16xi32> to vector<16xi32>
      %swap3A_179 = vector.shape_cast %add3A_175 : vector<16xi32> to vector<16xi32>
      tpu.vector_store %arg8[%swap3A_176], %swap3A_179 {strides = array<i32>} : memref<128xi32, #tpu.memory_space<vmem>>, vector<16xi32>,
      %add3A_180 = arith.constant 96 : i32
      %add3A_181 = arith.addi %add3A_126, %add3A_180 : i32
      %iota3A_182 = tpu.iota {dimensions = array<i32: 0>} : vector<16xi32>
      %add3A_183 = vector.broadcast %add3A_181 : i32 to vector<16xi32>
      %add3A_184 = arith.addi %add3A_183, %iota3A_182 : vector<16xi32>
      %swap3A_185 = arith.constant 96 : index
      %swap3A_186 = tpu.vector_load %arg8[%swap3A_185] {strides = array<i32>} : memref<128xi32, #tpu.memory_space<vmem>>, vector<16xi32>,
      %swap3A_187 = vector.shape_cast %swap3A_186 : vector<16xi32> to vector<16xi32>
      %swap3A_188 = vector.shape_cast %add3A_184 : vector<16xi32> to vector<16xi32>
      tpu.vector_store %arg8[%swap3A_185], %swap3A_188 {strides = array<i32>} : memref<128xi32, #tpu.memory_space<vmem>>, vector<16xi32>,
      %add3A_189 = arith.constant 112 : i32
      %add3A_190 = arith.addi %add3A_126, %add3A_189 : i32
      %iota3A_191 = tpu.iota {dimensions = array<i32: 0>} : vector<16xi32>
      %add3A_192 = vector.broadcast %add3A_190 : i32 to vector<16xi32>
      %add3A_193 = arith.addi %add3A_192, %iota3A_191 : vector<16xi32>
      %swap3A_194 = arith.constant 112 : index
      %swap3A_195 = tpu.vector_load %arg8[%swap3A_194] {strides = array<i32>} : memref<128xi32, #tpu.memory_space<vmem>>, vector<16xi32>,
      %swap3A_196 = vector.shape_cast %swap3A_195 : vector<16xi32> to vector<16xi32>
      %swap3A_197 = vector.shape_cast %add3A_193 : vector<16xi32> to vector<16xi32>
      tpu.vector_store %arg8[%swap3A_194], %swap3A_197 {strides = array<i32>} : memref<128xi32, #tpu.memory_space<vmem>>, vector<16xi32>,
      "tpu.region"() ({
        %run_scoped3A = tpu.sem_alloc : memref<!tpu.dma_semaphore, #tpu.memory_space<semaphore_mem>>
        %dma_start3A = arith.constant 0 : i32
        %dma_start3A_204 = arith.constant 0 : i32
        %dma_start3A_205 = tpu.memref_slice %arg11[%dma_start3A, %dma_start3A_204] : memref<10240x128xf32, #tpu.memory_space<vmem_shared>> -> memref<10240x128xf32, #tpu.memory_space<vmem_shared>>
        tpu.enqueue_indirect_dma source(%dma_start3A_205 : memref<10240x128xf32, #tpu.memory_space<vmem_shared>>) target(%arg10 : memref<128x128xf32, #tpu.memory_space<vmem>>) offsets(%arg8 : memref<128xi32, #tpu.memory_space<vmem>>) semaphore(%run_scoped3A : memref<!tpu.dma_semaphore, #tpu.memory_space<semaphore_mem>>)
        %dma_wait3A = arith.constant 0 : i32
        %dma_wait3A_206 = arith.constant 0 : i32
        %dma_wait3A_207 = tpu.memref_slice %arg11[%dma_wait3A, %dma_wait3A_206] : memref<10240x128xf32, #tpu.memory_space<vmem_shared>> -> memref<10240x128xf32, #tpu.memory_space<vmem_shared>>
        tpu.wait_indirect_dma semaphore(%run_scoped3A : memref<!tpu.dma_semaphore, #tpu.memory_space<semaphore_mem>>) src(%dma_wait3A_207 : memref<10240x128xf32, #tpu.memory_space<vmem_shared>>) dst(%arg10 : memref<128x128xf32, #tpu.memory_space<vmem>>)
        tpu.yield
      }) : () -> ()
      %mul3A_198 = arith.constant 10240 : i32
      %mul3A_199 = arith.muli %arg0, %mul3A_198 : i32
      %add3A_200 = arith.addi %mul3A_199, %add3A_126 : i32
      "tpu.region"() ({
        %run_scoped3A = tpu.sem_alloc : memref<!tpu.dma_semaphore, #tpu.memory_space<semaphore_mem>>
        %dma_start3A = arith.constant 0 : i32
        %dma_start3A_204 = tpu.memref_slice %arg5[%add3A_200, %dma_start3A] : memref<20480x128xf32, #tpu.memory_space<hbm>> -> memref<128x128xf32, #tpu.memory_space<hbm>>
        %dma_start3A_205 = arith.constant 0 : i32
        %dma_start3A_206 = tpu.memref_slice %arg5[%add3A_200, %dma_start3A_205] : memref<20480x128xf32, #tpu.memory_space<hbm>> -> memref<128x128xf32, #tpu.memory_space<hbm>>
        tpu.enqueue_dma source(%arg10 : memref<128x128xf32, #tpu.memory_space<vmem>>) target(%dma_start3A_206 : memref<128x128xf32, #tpu.memory_space<hbm>>) target_semaphore(%run_scoped3A : memref<!tpu.dma_semaphore, #tpu.memory_space<semaphore_mem>>)
        %dma_wait3A = arith.constant 0 : i32
        %dma_wait3A_207 = tpu.memref_slice %arg5[%add3A_200, %dma_wait3A] : memref<20480x128xf32, #tpu.memory_space<hbm>> -> memref<128x128xf32, #tpu.memory_space<hbm>>
        %dma_wait3A_208 = arith.constant 0 : i32
        %dma_wait3A_209 = tpu.memref_slice %arg5[%add3A_200, %dma_wait3A_208] : memref<20480x128xf32, #tpu.memory_space<hbm>> -> memref<128x128xf32, #tpu.memory_space<hbm>>
        tpu.wait_dma2 semaphore(%run_scoped3A : memref<!tpu.dma_semaphore, #tpu.memory_space<semaphore_mem>>) src(%arg10 : memref<128x128xf32, #tpu.memory_space<vmem>>) dst(%dma_wait3A_209 : memref<128x128xf32, #tpu.memory_space<hbm>>)
        tpu.yield
      }) : () -> ()
      "tpu.region"() ({
        %run_scoped3A = tpu.sem_alloc : memref<!tpu.dma_semaphore, #tpu.memory_space<semaphore_mem>>
        %dma_start3A = arith.constant 0 : i32
        %dma_start3A_204 = tpu.memref_slice %arg12[%dma_start3A] : memref<10240xf32, #tpu.memory_space<vmem_shared>> -> memref<10240xf32, #tpu.memory_space<vmem_shared>>
        tpu.enqueue_indirect_dma source(%dma_start3A_204 : memref<10240xf32, #tpu.memory_space<vmem_shared>>) target(%arg9 : memref<128xf32, #tpu.memory_space<vmem>>) offsets(%arg8 : memref<128xi32, #tpu.memory_space<vmem>>) semaphore(%run_scoped3A : memref<!tpu.dma_semaphore, #tpu.memory_space<semaphore_mem>>)
        %dma_wait3A = arith.constant 0 : i32
        %dma_wait3A_205 = tpu.memref_slice %arg12[%dma_wait3A] : memref<10240xf32, #tpu.memory_space<vmem_shared>> -> memref<10240xf32, #tpu.memory_space<vmem_shared>>
        tpu.wait_indirect_dma semaphore(%run_scoped3A : memref<!tpu.dma_semaphore, #tpu.memory_space<semaphore_mem>>) src(%dma_wait3A_205 : memref<10240xf32, #tpu.memory_space<vmem_shared>>) dst(%arg9 : memref<128xf32, #tpu.memory_space<vmem>>)
        tpu.yield
      }) : () -> ()
      %mul3A_201 = arith.constant 10240 : i32
      %mul3A_202 = arith.muli %arg0, %mul3A_201 : i32
      %add3A_203 = arith.addi %mul3A_202, %add3A_126 : i32
      "tpu.region"() ({
        %run_scoped3A = tpu.sem_alloc : memref<!tpu.dma_semaphore, #tpu.memory_space<semaphore_mem>>
        %dma_start3A = tpu.memref_slice %arg6[%add3A_203] : memref<20480xf32, #tpu.memory_space<hbm>> -> memref<128xf32, #tpu.memory_space<hbm>>
        %dma_start3A_204 = tpu.memref_slice %arg6[%add3A_203] : memref<20480xf32, #tpu.memory_space<hbm>> -> memref<128xf32, #tpu.memory_space<hbm>>
        tpu.enqueue_dma source(%arg9 : memref<128xf32, #tpu.memory_space<vmem>>) target(%dma_start3A_204 : memref<128xf32, #tpu.memory_space<hbm>>) target_semaphore(%run_scoped3A : memref<!tpu.dma_semaphore, #tpu.memory_space<semaphore_mem>>)
        %dma_wait3A = tpu.memref_slice %arg6[%add3A_203] : memref<20480xf32, #tpu.memory_space<hbm>> -> memref<128xf32, #tpu.memory_space<hbm>>
        %dma_wait3A_205 = tpu.memref_slice %arg6[%add3A_203] : memref<20480xf32, #tpu.memory_space<hbm>> -> memref<128xf32, #tpu.memory_space<hbm>>
        tpu.wait_dma2 semaphore(%run_scoped3A : memref<!tpu.dma_semaphore, #tpu.memory_space<semaphore_mem>>) src(%arg9 : memref<128xf32, #tpu.memory_space<vmem>>) dst(%dma_wait3A_205 : memref<128xf32, #tpu.memory_space<hbm>>)
        tpu.yield
      }) : () -> ()
    }
    %scan3A_122 = arith.constant 5 : i32
    return
  }
}

module attributes {stable_mosaic.version = 14 : i64} {
  func.func @_tc_body(%arg0: i32, %arg1: memref<400x128xf32, #tpu.memory_space<vmem>>, %arg2: memref<400x128xf32, #tpu.memory_space<vmem>>, %arg3: memref<400x128xf32, #tpu.memory_space<vmem>>, %arg4: memref<400x1xf32, #tpu.memory_space<vmem>>, %arg5: memref<400x1xf32, #tpu.memory_space<vmem>>, %arg6: memref<128x128xf32, #tpu.memory_space<vmem>>, %arg7: memref<1x128xf32, #tpu.memory_space<vmem>>, %arg8: memref<400x128xf32, #tpu.memory_space<vmem>>) attributes {dimension_semantics = [#tpu.dimension_semantics<arbitrary>], iteration_bounds = array<i64: 25>, scalar_prefetch = 0 : i64, scratch_operands = 0 : i64, tpu.core_type = #tpu.core_type<tc>, window_params = [{transform_indices = @transform_0, window_bounds = array<i64: 400, 128>}, {transform_indices = @transform_1, window_bounds = array<i64: 400, 128>}, {transform_indices = @transform_2, window_bounds = array<i64: 400, 128>}, {transform_indices = @transform_3, window_bounds = array<i64: 400, 1>}, {transform_indices = @transform_4, window_bounds = array<i64: 400, 1>}, {pipeline_mode = #tpu.pipeline_mode<synchronous>, transform_indices = @transform_5, window_bounds = array<i64: 128, 128>}, {pipeline_mode = #tpu.pipeline_mode<synchronous>, transform_indices = @transform_6, window_bounds = array<i64: 1, 128>}, {transform_indices = @transform_7, window_bounds = array<i64: 400, 128>}]} {
    %get3A = arith.constant 0 : index
    %get3A_0 = arith.constant 0 : index
    %get3A_1 = vector.load %arg2[%get3A, %get3A_0] : memref<400x128xf32, #tpu.memory_space<vmem>>, vector<400x128xf32>
    %get3A_2 = arith.constant 0 : index
    %get3A_3 = arith.constant 0 : index
    %get3A_4 = vector.load %arg3[%get3A_2, %get3A_3] : memref<400x128xf32, #tpu.memory_space<vmem>>, vector<400x128xf32>
    %add3A = arith.addf %get3A_1, %get3A_4 : vector<400x128xf32>
    %get3A_5 = arith.constant 0 : index
    %get3A_6 = arith.constant 0 : index
    %get3A_7 = vector.load %arg4[%get3A_5, %get3A_6] : memref<400x1xf32, #tpu.memory_space<vmem>>, vector<400x1xf32>
    %get3A_8 = arith.constant 0 : index
    %get3A_9 = arith.constant 0 : index
    %get3A_10 = vector.load %arg5[%get3A_8, %get3A_9] : memref<400x1xf32, #tpu.memory_space<vmem>>, vector<400x1xf32>
    %add3A_11 = arith.addf %get3A_7, %get3A_10 : vector<400x1xf32>
    %gt3A = arith.constant 0.000000e+00 : f32
    %gt3A_12 = vector.broadcast %gt3A : f32 to vector<400x1xf32>
    %gt3A_13 = arith.cmpf ogt, %add3A_11, %gt3A_12 : vector<400x1xf32>
    %max3A = arith.constant 1.000000e+00 : f32
    %max3A_14 = vector.broadcast %max3A : f32 to vector<400x1xf32>
    %max3A_15 = arith.maximumf %add3A_11, %max3A_14 : vector<400x1xf32>
    %div3A = vector.broadcast %max3A_15 : vector<400x1xf32> to vector<400x128xf32>
    %div3A_16 = arith.divf %add3A, %div3A : vector<400x128xf32>
    %jit3A = arith.constant 0.000000e+00 : f32
    %broadcast_in_dim3A = vector.shape_cast %gt3A_13 : vector<400x1xi1> to vector<400x1xi1>
    %broadcast_in_dim3A_17 = vector.broadcast %broadcast_in_dim3A : vector<400x1xi1> to vector<400x128xi1>
    %broadcast_in_dim3A_18 = vector.broadcast %jit3A : f32 to vector<400x128xf32>
    %select_n3A = arith.select %broadcast_in_dim3A_17, %div3A_16, %broadcast_in_dim3A_18 : vector<400x128xi1>, vector<400x128xf32>
    %get3A_19 = arith.constant 0 : index
    %get3A_20 = arith.constant 0 : index
    %get3A_21 = vector.load %arg1[%get3A_19, %get3A_20] : memref<400x128xf32, #tpu.memory_space<vmem>>, vector<400x128xf32>
    %add3A_22 = arith.addf %get3A_21, %select_n3A : vector<400x128xf32>
    %get3A_23 = arith.constant 0 : index
    %get3A_24 = arith.constant 0 : index
    %get3A_25 = vector.load %arg6[%get3A_23, %get3A_24] : memref<128x128xf32, #tpu.memory_space<vmem>>, vector<128x128xf32>
    %dot_general3A = arith.constant dense<0.000000e+00> : vector<400x128xf32>
    %dot_general3A_26 = tpu.matmul %add3A_22, %get3A_25, %dot_general3A {dimension_numbers = #tpu.dot_dimension_numbers<[1], [1], [0], [0], [0, 0, 1, 0], [], []>, precision = #tpu.contract_precision<fp32>, transpose_lhs_hint = false} : vector<400x128xf32>, vector<128x128xf32>, vector<400x128xf32> -> vector<400x128xf32>
    %get3A_27 = arith.constant 0 : index
    %get3A_28 = arith.constant 0 : index
    %get3A_29 = vector.load %arg7[%get3A_27, %get3A_28] : memref<1x128xf32, #tpu.memory_space<vmem>>, vector<1x128xf32>
    %add3A_30 = vector.broadcast %get3A_29 : vector<1x128xf32> to vector<400x128xf32>
    %add3A_31 = arith.addf %dot_general3A_26, %add3A_30 : vector<400x128xf32>
    %swap3A = arith.constant 0 : index
    %swap3A_32 = arith.constant 0 : index
    %swap3A_33 = vector.load %arg8[%swap3A, %swap3A_32] : memref<400x128xf32, #tpu.memory_space<vmem>>, vector<400x128xf32>
    tpu.vector_store %arg8[%swap3A, %swap3A_32], %add3A_31 {strides = array<i32>} : memref<400x128xf32, #tpu.memory_space<vmem>>, vector<400x128xf32>,
    return
  }
  func.func @transform_0(%arg0: i32) -> (i32, i32) {
    %c0_i32 = arith.constant 0 : i32
    %c0_i32_0 = arith.constant 0 : i32
    return %arg0, %c0_i32 : i32, i32
  }
  func.func @transform_1(%arg0: i32) -> (i32, i32) {
    %c0_i32 = arith.constant 0 : i32
    %c0_i32_0 = arith.constant 0 : i32
    return %arg0, %c0_i32 : i32, i32
  }
  func.func @transform_2(%arg0: i32) -> (i32, i32) {
    %c0_i32 = arith.constant 0 : i32
    %c0_i32_0 = arith.constant 0 : i32
    return %arg0, %c0_i32 : i32, i32
  }
  func.func @transform_3(%arg0: i32) -> (i32, i32) {
    %c0_i32 = arith.constant 0 : i32
    %c0_i32_0 = arith.constant 0 : i32
    return %arg0, %c0_i32 : i32, i32
  }
  func.func @transform_4(%arg0: i32) -> (i32, i32) {
    %c0_i32 = arith.constant 0 : i32
    %c0_i32_0 = arith.constant 0 : i32
    return %arg0, %c0_i32 : i32, i32
  }
  func.func @transform_5(%arg0: i32) -> (i32, i32) {
    %c0_i32 = arith.constant 0 : i32
    %c0_i32_0 = arith.constant 0 : i32
    %c0_i32_1 = arith.constant 0 : i32
    return %c0_i32, %c0_i32_0 : i32, i32
  }
  func.func @transform_6(%arg0: i32) -> (i32, i32) {
    %c0_i32 = arith.constant 0 : i32
    %c0_i32_0 = arith.constant 0 : i32
    %c0_i32_1 = arith.constant 0 : i32
    return %c0_i32, %c0_i32_0 : i32, i32
  }
  func.func @transform_7(%arg0: i32) -> (i32, i32) {
    %c0_i32 = arith.constant 0 : i32
    %c0_i32_0 = arith.constant 0 : i32
    return %arg0, %c0_i32 : i32, i32
  }
}

</mosaic_0001>

<sc_bundles>
// kernel: kernel.4.cloned.1.call-start
scs
__scs_entry_jumppad:
0x0: {  	(pc) =	sbr.rel $0x88, $3  }
0x1: {  	(tag) =	ssettag $0x0;
	lr =	simm.s32 $0x1  }
0x2: {  	[smem:$0x3F9D] =	sst lr;
	_ =	strace $0xD0000000  }
0x3: {  	_ = 	snop  }
0x4: {  	_ = 	snop  }
0x5: {  	_ = 	snop  }
0x6: {  	_ = 	snop  }
0x7: {  	_ = 	snop  }
__scs_overlays_trampoline_lowered:
0x8: {  	[smem:$0x3FAC] =	sst s0  }
0x9: {  	[smem:$0x3FAD] =	sst s1  }
0xa: {  	[smem:$0x3FAE] =	sst s2  }
0xb: {  	[smem:$0x3FAF] =	sst s3  }
0xc: {  	[smem:$0x3FB0] =	sst s4  }
0xd: {  	[smem:$0x3FB1] =	sst s5  }
0xe: {  	[smem:$0x3FB2] =	sst s6  }
0xf: {  	[smem:$0x3FB3] =	sst s7  }
0x10: {  	[smem:$0x3FB4] =	sst s8  }
0x11: {  	[smem:$0x3FB5] =	sst s9;
	s0 =	simm.s32 @!p0 $0x0  }
0x12: {  	s1 =	sld [smem:$0x3F9B];
	s0 =	simm.s32 @p0 $0x1  }
0x13: {  	[smem:$0x3FB6] =	sst s0;
	s0 =	simm.s32 @!p1 $0x0  }
0x14: {  	s2 =	sld [smem:$0x3F9A];
	s0 =	simm.s32 @p1 $0x1  }
0x15: {  	[smem:$0x3FB7] =	sst s0;
	s0 =	simm.s32 @!p2 $0x0  }
0x16: {  	s3 =	sld [smem:$0x3FDB];
	s0 =	simm.s32 @p2 $0x1  }
0x17: {  	s4 =	simm.s32 $0x1BF5;
	[smem:$0x3FB9] =	sst s0  }
0x18: {  	s0 =	sld [smem:$0x3F9C];
	_ =	swait.ge [sflag:s4], $0x0  }
0x19: {  	s7 =	sld [smem:$0x3F9D]  }
0x1a: {  	s8 =	sadd.s32 $0xFFFFE003, lr  }
0x1b: {  	s9 =	sadd.s32 $0xFFFFFEF7, lr;
	s5 =	simm.s32 $0xFFFFFFFF;
	p2 =	slt.u32 s8, $0xFFFFF086  }
0x1c: {  	p1 =	slt.u32 s9, $0xF7A;
	s5 =	simm.s32 @!p2 $0x0  }
0x1d: {  	s5 =	simm.s32 @p1 $0x1;
	p0 =	seq.s32 s7, s2  }
0x1e: {  	s7 =	smul.u32 @!p0 $0xF7A, s2;
	p2 =	seq.s32 @!p0 s5, $0x0  }
0x1f: {  	s9 =	smul.u32 $0xF7A, s1;
	s8 =	simm.s32 @!p0 $0x1BF5;
	p2 =	por !p2, p0  }
0x20: {  	[sflag:s8] =	ssyncset.s32 @!p0 $0xFFFFF086;
	s6 =	sadd.s32 @!p0 s3, s7;
	s7 =	simm.s32 @!p0 $0x108  }
0x21: {  	s3 =	sadd.s32 s3, s9;
	s6 =	sadd.s32 @!p0 $0x88, s6;
	s7 =	simm.s32 @p2 $0x1082  }
0x22: {  	[simem:s7], [sflag:s8] =	dma.local @!p0 [hbm:s6], $0xF7A  }
0x23: {  	s9 =	sor.u32 $0xD0000000, s2;
	s6 =	simm.s32 $0x108;
	_ =	swait.ge @!p0 [sflag:s8], $0x0  }
0x24: {  	s3 =	sadd.s32 $0x88, s3;
	s6 =	simm.s32 @!p1 $0x1082;
	[sflag:s4] =	ssyncset.s32 $0xFFFFF086  }
0x25: {  	[simem:s6], [sflag:s4] =	dma.local [hbm:s3], $0xF7A  }
0x26: {  	[smem:$0x3F9D] =	sst s1;
	(tag) =	ssettag s2;
	_ =	strace s9  }
0x27: {  	s1 =	sld [smem:$0x3FAD]  }
0x28: {  	s2 =	sld [smem:$0x3FAE]  }
0x29: {  	s4 =	sld [smem:$0x3FB0]  }
0x2a: {  	p0 =	seq.s32 s5, $0x0;
	s5 =	sld [smem:$0x3FB1]  }
0x2b: {  	s6 =	sld [smem:$0x3FB2]  }
0x2c: {  	s7 =	sld [smem:$0x3FB3]  }
0x2d: {  	s3 =	simm.s32 $0x108;
	s8 =	sld [smem:$0x3FB4]  }
0x2e: {  	s3 =	simm.s32 @!p0 $0x1082;
	s9 =	sld [smem:$0x3FB5]  }
0x2f: {  	lr =	sadd.s32 s0, s3;
	s0 =	sld [smem:$0x3FAC]  }
0x30: {  	s3 =	sld [smem:$0x3FAF]  }
0x31: {  	[smem:$0x3FB8] =	sst s10  }
0x32: {  	s10 =	sld [smem:$0x3FB6];
	_ =	sdelay $0x3  }
0x33: {  	p0 =	seq.s32 s10, $0x1;
	s10 =	sld [smem:$0x3FB8];
	_ =	sdelay $0x3  }
0x34: {  	[smem:$0x3FB8] =	sst s10  }
0x35: {  	s10 =	sld [smem:$0x3FB7];
	_ =	sdelay $0x3  }
0x36: {  	p1 =	seq.s32 s10, $0x1;
	s10 =	sld [smem:$0x3FB8];
	_ =	sdelay $0x3  }
0x37: {  	[smem:$0x3FB8] =	sst s10  }
0x38: {  	s10 =	sld [smem:$0x3FB9]  }
0x39: {  	_ = 	snop;
	(pc) =	sbr.ind lr, $3  }
0x3a: {  	_ = 	snop  }
0x3b: {  	_ = 	snop  }
0x3c: {  	p2 =	seq.s32 s10, $0x1;
	s10 =	sld [smem:$0x3FB8]  }
0x3d: {  	_ =	shalt  }
0x3e: {  	_ =	shalt  }
0x3f: {  	_ =	shalt  }
0x40: {  	_ =	shalt  }
0x41: {  	_ =	shalt  }
0x42: {  	_ =	shalt  }
0x43: {  	_ =	shalt  }
0x44: {  	_ =	shalt  }
0x45: {  	_ =	shalt  }
0x46: {  	_ =	shalt  }
0x47: {  	_ =	shalt  }
0x48: {  	_ =	shalt  }
0x49: {  	_ =	shalt  }
0x4a: {  	_ =	shalt  }
0x4b: {  	_ =	shalt  }
0x4c: {  	_ =	shalt  }
0x4d: {  	_ =	shalt  }
0x4e: {  	_ =	shalt  }
0x4f: {  	_ =	shalt  }
0x50: {  	_ =	shalt  }
0x51: {  	_ =	shalt  }
0x52: {  	_ =	shalt  }
0x53: {  	_ =	shalt  }
0x54: {  	_ =	shalt  }
0x55: {  	_ =	shalt  }
0x56: {  	_ =	shalt  }
0x57: {  	_ =	shalt  }
0x58: {  	_ =	shalt  }
0x59: {  	_ =	shalt  }
0x5a: {  	_ =	shalt  }
0x5b: {  	_ =	shalt  }
0x5c: {  	_ =	shalt  }
0x5d: {  	_ =	shalt  }
0x5e: {  	_ =	shalt  }
0x5f: {  	_ =	shalt  }
0x60: {  	_ =	shalt  }
0x61: {  	_ =	shalt  }
0x62: {  	_ =	shalt  }
0x63: {  	_ =	shalt  }
0x64: {  	_ =	shalt  }
0x65: {  	_ =	shalt  }
0x66: {  	_ =	shalt  }
0x67: {  	_ =	shalt  }
0x68: {  	_ =	shalt  }
0x69: {  	_ =	shalt  }
0x6a: {  	_ =	shalt  }
0x6b: {  	_ =	shalt  }
0x6c: {  	_ =	shalt  }
0x6d: {  	_ =	shalt  }
0x6e: {  	_ =	shalt  }
0x6f: {  	_ =	shalt  }
0x70: {  	_ =	shalt  }
0x71: {  	_ =	shalt  }
0x72: {  	_ =	shalt  }
0x73: {  	_ =	shalt  }
0x74: {  	_ =	shalt  }
0x75: {  	_ =	shalt  }
0x76: {  	_ =	shalt  }
0x77: {  	_ =	shalt  }
0x78: {  	_ =	shalt  }
0x79: {  	_ =	shalt  }
0x7a: {  	_ =	shalt  }
0x7b: {  	_ =	shalt  }
0x7c: {  	_ =	shalt  }
0x7d: {  	_ =	shalt  }
0x7e: {  	_ =	shalt  }
0x7f: {  	_ =	shalt  }
0x80: {  	_ =	shalt  }
0x81: {  	_ =	shalt  }
0x82: {  	_ =	shalt  }
0x83: {  	_ =	shalt  }
0x84: {  	_ =	shalt  }
0x85: {  	_ =	shalt  }
0x86: {  	_ =	shalt  }
0x87: {  	_ =	shalt  }
.Lfunc_end0:
.L_simem_size_0:
called_computation_lowered:
.L_overlay_start_0:
0x88: {  	s2 =	sld [smem:$0x3FD9]  }
0x89: {  	s3 =	sld [smem:$0x3FFE];
	_ =	sdelay $0x1  }
0x8a: {  	s1 =	srdreg.scid  }
0x8b: {  	s0 =	sand.u32 $0x1, s1  }
0x8c: {  	s17 =	sshll.u32 s0, $0xA;
	s2 =	sadd.s32 s3, s2  }
0x8d: {  	s2 =	sadd.s32 s2, s17  }
0x8e: {  	[smem:$0x3FC4] =	sst s2  }
0x8f: {  	_ = 	snop  }
0x90: {  	s2 =	sld [smem:$0x3FC9]  }
0x91: {  	s18 =	sld [smem:$0x3FD0];
	(tm) =	ssettm $0x1  }
0x92: {  	s4 =	sld [smem:$0x3FFB];
	_ =	sdelay $0x3  }
0x93: {  	_ =	strace s4  }
0x94: {  	s4 =	sld [smem:$0x3FFC];
	_ =	sdelay $0x3  }
0x95: {  	_ =	strace s4  }
0x96: {  	s4 =	sld [smem:$0x3FFD];
	_ =	sdelay $0x3  }
0x97: {  	_ =	strace s4  }
0x98: {  	_ =	strace $0x8FFFFFFF  }
0x99: {  	s19 =	sld [smem:$0x3FDB];
	_ =	sdelay $0x1  }
0x9a: {  	s5 =	simm.s32 $_scs_section_size  }
0x9b: {  	s6 =	simm.s32 $_size__tile_overlayer_lowered;
	s7 =	simm.s32 $_tile_overlayer_lowered  }
0x9c: {  	s22 =	simm.s32 $0x1BFF;
	s21 =	sshll.u32 s7, $0x1;
	s4 =	sadd.s32 s5, s19  }
0x9d: {  	s8 =	simm.s32 $0x0;
	s20 =	sshll.u32 s6, $0x1;
	s6 =	sadd.s32 s21, s4  }
0x9e: {  	[timem:s8], [sflag:s22] =	dma.local [hbm:s6], s20  }
0x9f: {  	_ =	swait.ge [sflag:s22], s20  }
0xa0: {  	s5 =	ssub.s32 $0x0, s20;
	[sflag:s22] =	ssyncset.done $0x0  }
0xa1: {  	[sflag:s22] =	ssyncadd.s32 s5;
	_ =	sdelay $0x1  }
0xa2: {  	s23 =	simm.s32 $0x1B8B  }
0xa3: {  	_ =	swait.ge [sflag:s23], $0x1  }
0xa4: {  	[sflag:s23] =	ssyncset.done $0x0  }
0xa5: {  	s25 =	simm.s32 $0x1B8E;
	s24 =	sld [smem:$0x3FFE];
	[sflag:s23] =	ssyncadd.s32 $0xFFFFFFFF  }
0xa6: {  	s26 =	simm.s32 $execute0_lowered;
	[smem:$0x3FD2] =	sst s25  }
0xa7: {  	s6 =	sshll.u32 s26, $0x1;
	_ =	strace $0x80000046;
	[dreg:$0x1] =	wrdreg $0xFFFFFFFF  }
0xa8: {  	s28 =	simm.s32 $_size_execute0_lowered;
	s4 =	sadd.s32 s4, s6;
	[dreg:$0x0] =	wrdreg $0x0  }
0xa9: {  	s6 =	sshll.u32 s28, $0x1;
	[dreg:$0x2] =	wrdreg s4  }
0xaa: {  	[dreg:$0x3] =	wrdreg s6  }
0xab: {  	[dreg:$0x4] =	wrdreg $0xC0  }
0xac: {  	_ =	task [dreg:s8], $0x5FFFF  }
0xad: {  	[dreg:$0x1] =	wrdreg $0xFFFFFFFF  }
0xae: {  	[dreg:$0x0] =	wrdreg $0x60  }
0xaf: {  	[dreg:$0x2] =	wrdreg s2  }
0xb0: {  	[dreg:$0x3] =	wrdreg s18  }
0xb1: {  	[dreg:$0x4] =	wrdreg s24  }
0xb2: {  	[dreg:$0x5] =	wrdreg $0x41800  }
0xb3: {  	[dreg:$0x6] =	wrdreg $0x181800  }
0xb4: {  	[dreg:$0x7] =	wrdreg $0x9  }
0xb5: {  	_ =	task.clear_ibuf [dreg:s8], $0x8FFFF;
	_ =	strace $0x90000046  }
0xb6: {  	s29 =	simm.s32 $0x9;
	_ =	strace $0x80000048  }
0xb7: {  	_ =	swait.ge [sflag:s29], $0x1  }
0xb8: {  	[sflag:s29] =	ssyncadd.s32 $0xFFFFFFFF  }
0xb9: {  	_ =	strace $0x90000048  }
0xba: {  	_ =	sfence  }
0xbb: {  	s30 =	sld [smem:$0x0];
	_ =	sdelay $0x2  }
0xbc: {  	s31 =	sshll.u32 s1, $0xD;
	s1 =	sshrl.u32 s1, $0x2  }
0xbd: {  	s3 =	sand.u32 $0x4000, s31;
	s1 =	sadd.s32 s1, s30  }
0xbe: {  	s0 =	sor.u32 s3, s0;
	s1 =	sshll.u32 s1, $0x11  }
0xbf: {  	s0 =	sor.u32 s1, s0  }
0xc0: {  	s0 =	sadd.s32 $0x8F2B, s0  }
0xc1: {  	[sflag:s0] =	ssyncadd.remote.s32 $0x1  }
0xc2: {  	_ =	sfence.sel $0xFFFF  }
0xc3: {  	[dreg:$0x0] =	wrdreg $0xFFFFFFFF;
	(pc) =	sbr.abs _section_cstart, $3  }
0xc4: {  	[dreg:$0x1] =	wrdreg $0xFFFFFFFF  }
0xc5: {  	_ =	task.clear_ibuf [dreg:s8], $0x2FFFF;
	_ =	strace $0x9FFFFFFF  }
0xc6: {  	(tm) =	ssettm $0x7FFFFFFF  }
0xc7: {  	_ =	shalt  }
tec
execute0_lowered:
.L_overlay_start_1:
0x0: {  	(tag) =	ssettag $0x1  }
0x1: {  	s0 =	rddreg [dreg:$0x0]  }
0x2: {  	s9 =	rddreg [dreg:$0x1]  }
0x3: {  	s7 =	rddreg [dreg:$0x2]  }
0x4: {  	s2 =	rddreg [dreg:$0x3];
	s4 =	stileid.u32  }
0x5: {  	s1 =	srdreg.scid;
	s6 =	smul.u32 $0x280, s4  }
0x6: {  	s3 =	rddreg [dreg:$0x4];
	s8 =	sand.u32 $0x1, s1;
	s15 =	smul.u32 $0x4F0, s4  }
0x7: {  	s5 =	simm.s32 $0x0;
	s16 =	simm.s32 $0x1;
	s10 =	smul.u32 $0x4F00, s8  }
0x8: {  	s17 =	simm.s32 $0x0;
	s1 =	rddreg [dreg:$0x5];
	s11 =	smul.u32 $0x28000, s8  }
0x9: {  	[smem:$0x7FF] =	sst s5;
	s12 =	smul.u32 $0x2800, s8;
	s8 =	ssub.s32 $0x2, s8  }
0xa: {  	s29 =	smul.u32 $0x2800, s4;
	_ =	strace $0x80000047;
	s14 =	sshrl.u32 s8, $0x1  }
0xb: {  	s13 =	sadd.s32 s10, s7;
	s11 =	sadd.s32 s11, s7;
	s12 =	sadd.s32 s6, s12  }
0xc: {  	s8 =	ssub.s32 s8, s14;
	s9 =	sadd.s32 s10, s9;
	s14 =	simm.s32 $0x2  }
0xd: {  	s12 =	sshrl.u32 s12, $0x3;
	s30 =	sadd.s32 s15, s13;
	s31 =	sadd.s32 s29, s11  }
0xe: {  	s9 =	sadd.s32 s15, s9;
	s13 =	simm.s32 $0x180;
	s15 =	simm.s32 $0x100  }
0xf: {  	s12 =	sadd.s32 s12, s7;
	s7 =	smax.u32 s8, $0x1;
	s8 =	sadd.s32 $0x600, s30  }
0x10: {  	v0 =	vimm.f32 $0.0e+00;
	v1 =	vlaneseq.u32;
	v2 =	vimm.f32 $1.000000000e+00;
	s10 =	sadd.s32 $0xA400, s31;
	s11 =	sadd.s32 $0x5A400, s12;
	s12 =	simm.s32 $0x80  }
.LBB2_1:
0x11: {  	s18 =	simm.s32 $0x0;
	s19 =	simm.s32 $0x200  }
.LBB2_2:
0x12: {  	p0 =	sne.s32 s19, $0xFE00;
	[tilespmem:s18+$0x1F0] =	vst v0  }
0x13: {  	[tilespmem:s18+$0x180] =	vst v0  }
0x14: {  	[tilespmem:s18+$0x190] =	vst v0  }
.Ltmp0:
0x15: {  	[tilespmem:s18+$0x1A0] =	vst v0;
	(pc) =	sbr.rel @p0 .LBB2_2-.Ltmp0, $4  }
0x16: {  	[tilespmem:s18+$0x1B0] =	vst v0  }
0x17: {  	[tilespmem:s18+$0x1C0] =	vst v0  }
0x18: {  	[tilespmem:s18+$0x1D0] =	vst v0  }
0x19: {  	[tilespmem:s18+$0x1E0] =	vst v0;
	s18 =	sshra.s32 s19, $0x2;
	s19 =	sadd.s32 $0x200, s19  }
0x1a: {  	[tilespmem:s18+$0x1F0] =	vst v0  }
0x1b: {  	[tilespmem:s18+$0x180] =	vst v0  }
0x1c: {  	[tilespmem:s18+$0x190] =	vst v0  }
0x1d: {  	[tilespmem:s18+$0x1A0] =	vst v0  }
0x1e: {  	[tilespmem:s18+$0x1B0] =	vst v0  }
0x1f: {  	[tilespmem:s18+$0x1C0] =	vst v0  }
0x20: {  	[tilespmem:s18+$0x1D0] =	vst v0  }
0x21: {  	[tilespmem:s18+$0x1E0] =	vst v0  }
0x22: {  	[tilespmem:$0x100] =	vst v0  }
0x23: {  	[tilespmem:$0x110] =	vst v0  }
0x24: {  	[tilespmem:$0x120] =	vst v0  }
0x25: {  	[tilespmem:$0x130] =	vst v0  }
0x26: {  	[tilespmem:$0x140] =	vst v0  }
0x27: {  	[tilespmem:$0x150] =	vst v0  }
0x28: {  	s26 =	sadd.s32 $0x0, s6;
	[tilespmem:$0x160] =	vst v0  }
0x29: {  	[tilespmem:$0x170] =	vst v0;
	v3 =	vor.u32 s26, v1;
	s19 =	sadd.s32 $0x10, s26  }
0x2a: {  	s20 =	sadd.s32 $0x20, s26;
	[tilespmem:$0x80] =	vst v3;
	v3 =	vor.u32 s19, v1  }
0x2b: {  	s30 =	sadd.s32 $0x40, s26;
	v4 =	vor.u32 s20, v1;
	[tilespmem:$0x90] =	vst v3  }
0x2c: {  	s18 =	sadd.s32 $0x60, s26;
	v62 =	vor.u32 s30, v1;
	[tilespmem:$0xA0] =	vst v4  }
0x2d: {  	s28 =	sadd.s32 $0x70, s26;
	v63 =	vor.u32 s18, v1;
	[tilespmem:$0xC0] =	vst v62  }
0x2e: {  	s29 =	sadd.s32 $0x50, s26;
	v3 =	vor.u32 s28, v1;
	[tilespmem:$0xE0] =	vst v63  }
0x2f: {  	s31 =	sadd.s32 $0x30, s26;
	[tilespmem:$0xF0] =	vst v3;
	v3 =	vor.u32 s29, v1  }
0x30: {  	[tilespmem:$0xD0] =	vst v3;
	v3 =	vor.u32 s31, v1  }
0x31: {  	s18 =	simm.s32 $0x80;
	[tilespmem:$0xB0] =	vst v3  }
0x32: {  	[spmem:s2] =	stream.indirect.scatter [tilespmem:s13], [sflag:$0x2], $0x80, s12, s12, $0xb8;
	[tilespmem:$0x18400] =	vst v63  }
.LBB2_4:
0x33: {  	p0 =	sne.s32 s18, $0x200  }
0x34: {  	_ =	swait.ge [sflag:s14], $0x4000;
	s19 =	smov.u32 s18;
	s18 =	sadd.s32 $0x80, s18  }
0x35: {  	[sflag:s14] =	ssyncset.done $0x0  }
0x36: {  	[sflag:s14] =	ssyncadd.s32 $0xFFFFC000  }
0x37: {  	[spmem:s3] =	stream.indirect.scatter [tilespmem:s15], [sflag:$0x2], $0x1, s12, s12, $0xb8;
	[tilespmem:$0x18400] =	vst v63  }
0x38: {  	_ =	swait.ge [sflag:s14], $0x80  }
0x39: {  	s19 =	sadd.s32 s19, s6;
	[sflag:s14] =	ssyncset.done $0x0  }
0x3a: {  	v3 =	vor.u32 s19, v1;
	s20 =	sadd.s32 $0x10, s19;
	s21 =	sadd.s32 $0x20, s19;
	[sflag:s14] =	ssyncadd.s32 $0xFFFFFF80  }
0x3b: {  	s22 =	sadd.s32 $0x70, s19;
	v4 =	vor.u32 s21, v1;
	s21 =	sadd.s32 $0x50, s19;
	[tilespmem:$0x80] =	vst v3;
	v3 =	vor.u32 s20, v1;
	s20 =	sadd.s32 $0x40, s19  }
0x3c: {  	s23 =	sadd.s32 $0x30, s19;
	v6 =	vor.u32 s22, v1;
	v5 =	vor.u32 s21, v1;
	s19 =	sadd.s32 $0x60, s19;
	[tilespmem:$0x90] =	vst v3;
	v3 =	vor.u32 s20, v1  }
0x3d: {  	v7 =	vor.u32 s23, v1;
	v8 =	vor.u32 s19, v1;
	[tilespmem:$0xF0] =	vst v6  }
0x3e: {  	[tilespmem:$0xA0] =	vst v4  }
.Ltmp1:
0x3f: {  	[tilespmem:$0xD0] =	vst v5;
	(pc) =	sbr.rel @p0 .LBB2_4-.Ltmp1, $4  }
0x40: {  	[tilespmem:$0xC0] =	vst v3  }
0x41: {  	[tilespmem:$0xB0] =	vst v7  }
0x42: {  	[tilespmem:$0xE0] =	vst v8  }
0x43: {  	[spmem:s2] =	stream.indirect.scatter [tilespmem:s13], [sflag:$0x2], $0x80, s12, s12, $0xb8;
	[tilespmem:$0x18400] =	vst v63  }
0x44: {  	_ =	swait.ge [sflag:s14], $0x4000  }
0x45: {  	[sflag:s14] =	ssyncset.done $0x0  }
0x46: {  	[sflag:s14] =	ssyncadd.s32 $0xFFFFC000  }
0x47: {  	[spmem:s3] =	stream.indirect.scatter [tilespmem:s15], [sflag:$0x2], $0x1, s12, s12, $0xb8;
	[tilespmem:$0x18400] =	vst v63  }
0x48: {  	_ =	swait.ge [sflag:s14], $0x80  }
0x49: {  	[sflag:s14] =	ssyncset.done $0x0  }
0x4a: {  	[sflag:s14] =	ssyncadd.s32 $0xFFFFFF80  }
0x4b: {  	[tilespmem:$0x100] =	vst v2  }
0x4c: {  	[tilespmem:$0x110] =	vst v2  }
0x4d: {  	[tilespmem:$0x120] =	vst v2  }
0x4e: {  	[tilespmem:$0x130] =	vst v2  }
0x4f: {  	[tilespmem:$0x140] =	vst v2  }
0x50: {  	[tilespmem:$0x150] =	vst v2  }
0x51: {  	[tilespmem:$0x160] =	vst v2  }
0x52: {  	[tilespmem:$0x170] =	vst v2  }
0x53: {  	s18 =	sadd.s32 $0x0, s9;
	[bflag:$0x0] =	sbarrier.arrive $0xFFFF  }
0x54: {  	[tilespmem:s5], [sflag:$0x2] =	stream.linear.gather [hbm4b:s18+s5], $0x80, $0x38;
	[tilespmem:$0x18400] =	vst v63  }
0x55: {  	_ =	swait.ge [sflag:s14], $0x80  }
0x56: {  	[sflag:s14] =	ssyncset.done $0x0  }
0x57: {  	s31 =	sadd.s32 $0x0, s8;
	[sflag:s14] =	ssyncadd.s32 $0xFFFFFF80  }
0x58: {  	[tilespmem:s12], [sflag:$0x2] =	stream.linear.gather [hbm4b:s31+s5], $0x80, $0x38;
	[tilespmem:$0x18400] =	vst v63  }
0x59: {  	_ =	swait.ge [sflag:s14], $0x80  }
0x5a: {  	[sflag:s14] =	ssyncset.done $0x0  }
0x5b: {  	[sflag:s14] =	ssyncadd.s32 $0xFFFFFF80  }
0x5c: {  	[tilespmem:s13], [sflag:$0x1] =	stream.indirect.gather [hbm4b:s0+s12], $0x80, s5, s12, $0xb8;
	[tilespmem:$0x18400] =	vst v63  }
0x5d: {  	_ =	swait.ge [sflag:s16], $0x4000  }
0x5e: {  	[sflag:s16] =	ssyncset.done $0x0  }
0x5f: {  	[sflag:s16] =	ssyncadd.s32 $0xFFFFC000  }
0x60: {  	[spmem:s2] =	stream.indirect.scatter.add.f32 [tilespmem:s13], [sflag:$0x2], $0x80, s12, s12, $0xb8;
	[tilespmem:$0x18400] =	vst v63  }
0x61: {  	_ =	swait.ge [sflag:s14], $0x4000  }
0x62: {  	[sflag:s14] =	ssyncset.done $0x0  }
0x63: {  	[sflag:s14] =	ssyncadd.s32 $0xFFFFC000  }
0x64: {  	[spmem:s3] =	stream.indirect.scatter.add.f32 [tilespmem:s15], [sflag:$0x2], $0x1, s12, s12, $0xb8;
	[tilespmem:$0x18400] =	vst v63  }
0x65: {  	_ =	swait.ge [sflag:s14], $0x80  }
0x66: {  	s19 =	simm.s32 $0x20;
	s18 =	simm.s32 $0x10;
	[sflag:s14] =	ssyncset.done $0x0  }
.LBB2_6:
0x67: {  	s20 =	sadd.s32 s18, s9  }
0x68: {  	[sflag:s14] =	ssyncadd.s32 $0xFFFFFF80;
	s21 =	smov.u32 s19;
	s22 =	sadd.s32 $0x10, s19  }
0x69: {  	[tilespmem:s5], [sflag:$0x2] =	stream.linear.gather [hbm4b:s20+s5], $0x80, $0x38;
	[tilespmem:$0x18400] =	vst v63  }
0x6a: {  	p0 =	sne.s32 s19, $0x4E0;
	_ =	swait.ge [sflag:s14], $0x80  }
0x6b: {  	[sflag:s14] =	ssyncset.done $0x0  }
0x6c: {  	s19 =	sadd.s32 s18, s8;
	s18 =	smov.u32 s21;
	[sflag:s14] =	ssyncadd.s32 $0xFFFFFF80  }
0x6d: {  	[tilespmem:s12], [sflag:$0x2] =	stream.linear.gather [hbm4b:s19+s5], $0x80, $0x38;
	[tilespmem:$0x18400] =	vst v63  }
0x6e: {  	_ =	swait.ge [sflag:s14], $0x80  }
0x6f: {  	[sflag:s14] =	ssyncset.done $0x0  }
0x70: {  	[sflag:s14] =	ssyncadd.s32 $0xFFFFFF80  }
0x71: {  	[tilespmem:s13], [sflag:$0x1] =	stream.indirect.gather [hbm4b:s0+s12], $0x80, s5, s12, $0xb8;
	[tilespmem:$0x18400] =	vst v63  }
0x72: {  	_ =	swait.ge [sflag:s16], $0x4000  }
0x73: {  	[sflag:s16] =	ssyncset.done $0x0  }
0x74: {  	[sflag:s16] =	ssyncadd.s32 $0xFFFFC000  }
0x75: {  	[spmem:s2] =	stream.indirect.scatter.add.f32 [tilespmem:s13], [sflag:$0x2], $0x80, s12, s12, $0xb8;
	[tilespmem:$0x18400] =	vst v63  }
0x76: {  	_ =	swait.ge [sflag:s14], $0x4000  }
.Ltmp2:
0x77: {  	[sflag:s14] =	ssyncset.done $0x0;
	(pc) =	sbr.rel @p0 .LBB2_6-.Ltmp2, $4  }
0x78: {  	[sflag:s14] =	ssyncadd.s32 $0xFFFFC000  }
0x79: {  	[spmem:s3] =	stream.indirect.scatter.add.f32 [tilespmem:s15], [sflag:$0x2], $0x1, s12, s12, $0xb8;
	[tilespmem:$0x18400] =	vst v63  }
0x7a: {  	_ =	swait.ge [sflag:s14], $0x80  }
0x7b: {  	s19 =	smov.u32 s22;
	[sflag:s14] =	ssyncset.done $0x0  }
0x7c: {  	s19 =	sadd.s32 s18, s9;
	[sflag:s14] =	ssyncadd.s32 $0xFFFFFF80  }
0x7d: {  	[tilespmem:s5], [sflag:$0x2] =	stream.linear.gather [hbm4b:s19+s5], $0x80, $0x38;
	[tilespmem:$0x18400] =	vst v63  }
0x7e: {  	_ =	swait.ge [sflag:s14], $0x80  }
0x7f: {  	[sflag:s14] =	ssyncset.done $0x0  }
0x80: {  	s24 =	sadd.s32 s18, s8;
	[sflag:s14] =	ssyncadd.s32 $0xFFFFFF80  }
0x81: {  	[tilespmem:s12], [sflag:$0x2] =	stream.linear.gather [hbm4b:s24+s5], $0x80, $0x38;
	[tilespmem:$0x18400] =	vst v63  }
0x82: {  	_ =	swait.ge [sflag:s14], $0x80  }
0x83: {  	[sflag:s14] =	ssyncset.done $0x0  }
0x84: {  	[sflag:s14] =	ssyncadd.s32 $0xFFFFFF80  }
0x85: {  	[tilespmem:s13], [sflag:$0x1] =	stream.indirect.gather [hbm4b:s0+s12], $0x80, s5, s12, $0xb8;
	[tilespmem:$0x18400] =	vst v63  }
0x86: {  	_ =	swait.ge [sflag:s16], $0x4000  }
0x87: {  	[sflag:s16] =	ssyncset.done $0x0  }
0x88: {  	[sflag:s16] =	ssyncadd.s32 $0xFFFFC000  }
0x89: {  	[spmem:s2] =	stream.indirect.scatter.add.f32 [tilespmem:s13], [sflag:$0x2], $0x80, s12, s12, $0xb8;
	[tilespmem:$0x18400] =	vst v63  }
0x8a: {  	_ =	swait.ge [sflag:s14], $0x4000  }
0x8b: {  	[sflag:s14] =	ssyncset.done $0x0  }
0x8c: {  	[sflag:s14] =	ssyncadd.s32 $0xFFFFC000  }
0x8d: {  	[spmem:s3] =	stream.indirect.scatter.add.f32 [tilespmem:s15], [sflag:$0x2], $0x1, s12, s12, $0xb8;
	[tilespmem:$0x18400] =	vst v63  }
0x8e: {  	_ =	swait.ge [sflag:s14], $0x80  }
0x8f: {  	[sflag:s14] =	ssyncset.done $0x0  }
0x90: {  	s25 =	sadd.s32 $0x0, s6;
	[sflag:s14] =	ssyncadd.s32 $0xFFFFFF80  }
0x91: {  	v3 =	vor.u32 s25, v1;
	s20 =	sadd.s32 $0x20, s25;
	[bflag:$0x0] =	sbarrier.arrive $0xFFFF  }
0x92: {  	s30 =	sadd.s32 $0x40, s25;
	v4 =	vor.u32 s20, v1;
	[tilespmem:$0x80] =	vst v3  }
0x93: {  	s18 =	sadd.s32 $0x60, s25;
	v62 =	vor.u32 s30, v1;
	[tilespmem:$0xA0] =	vst v4  }
0x94: {  	s26 =	sadd.s32 $0x10, s25;
	v63 =	vor.u32 s18, v1;
	[tilespmem:$0xC0] =	vst v62  }
0x95: {  	s28 =	sadd.s32 $0x70, s25;
	v3 =	vor.u32 s26, v1;
	[tilespmem:$0xE0] =	vst v63  }
0x96: {  	s29 =	sadd.s32 $0x50, s25;
	[tilespmem:$0x90] =	vst v3;
	v3 =	vor.u32 s28, v1  }
0x97: {  	s31 =	sadd.s32 $0x30, s25;
	[tilespmem:$0xF0] =	vst v3;
	v3 =	vor.u32 s29, v1  }
0x98: {  	[tilespmem:$0xD0] =	vst v3;
	v3 =	vor.u32 s31, v1  }
0x99: {  	[tilespmem:$0xB0] =	vst v3  }
0x9a: {  	[tilespmem:s13], [sflag:$0x2] =	stream.indirect.gather [spmem:s2], $0x80, s12, s12, $0xb8;
	[tilespmem:$0x18400] =	vst v63  }
0x9b: {  	_ =	swait.ge [sflag:s14], $0x4000  }
0x9c: {  	[sflag:s14] =	ssyncset.done $0x0  }
0x9d: {  	[sflag:s14] =	ssyncadd.s32 $0xFFFFC000  }
0x9e: {  	[hbm4b:s10+s5] =	stream.linear.scatter [tilespmem:s13], [sflag:$0x2], $0x4000, $0x38;
	[tilespmem:$0x18400] =	vst v63  }
0x9f: {  	_ =	swait.ge [sflag:s14], $0x4000  }
0xa0: {  	s21 =	smov.u32 s11;
	s19 =	smov.u32 s10;
	[sflag:s14] =	ssyncset.done $0x0  }
0xa1: {  	s18 =	simm.s32 $0x80;
	s20 =	smov.u32 s11;
	[sflag:s14] =	ssyncadd.s32 $0xFFFFC000  }
0xa2: {  	[tilespmem:s15], [sflag:$0x2] =	stream.indirect.gather [spmem:s3], $0x1, s12, s12, $0xb8;
	[tilespmem:$0x18400] =	vst v63  }
.LBB2_8:
0xa3: {  	_ =	swait.ge [sflag:s14], $0x80  }
0xa4: {  	s19 =	sadd.s32 $0x800, s19;
	s21 =	sadd.s32 $0x10, s21;
	s22 =	smov.u32 s18  }
0xa5: {  	p0 =	sne.s32 s18, $0x200;
	s18 =	sadd.s32 $0x80, s18;
	[sflag:s14] =	ssyncset.done $0x0  }
0xa6: {  	[sflag:s14] =	ssyncadd.s32 $0xFFFFFF80  }
0xa7: {  	[hbm4b:s20+s5] =	stream.linear.scatter [tilespmem:s15], [sflag:$0x2], $0x80, $0x38;
	[tilespmem:$0x18400] =	vst v63  }
0xa8: {  	s20 =	smov.u32 s21;
	_ =	swait.ge [sflag:s14], $0x80  }
0xa9: {  	s22 =	sadd.s32 s22, s6;
	[sflag:s14] =	ssyncset.done $0x0  }
0xaa: {  	v3 =	vor.u32 s22, v1;
	s23 =	sadd.s32 $0x10, s22;
	s24 =	sadd.s32 $0x20, s22;
	[sflag:s14] =	ssyncadd.s32 $0xFFFFFF80  }
0xab: {  	s25 =	sadd.s32 $0x70, s22;
	v4 =	vor.u32 s24, v1;
	s24 =	sadd.s32 $0x50, s22;
	[tilespmem:$0x80] =	vst v3;
	v3 =	vor.u32 s23, v1;
	s23 =	sadd.s32 $0x40, s22  }
0xac: {  	s26 =	sadd.s32 $0x30, s22;
	v6 =	vor.u32 s25, v1;
	v5 =	vor.u32 s24, v1;
	s22 =	sadd.s32 $0x60, s22;
	[tilespmem:$0x90] =	vst v3;
	v3 =	vor.u32 s23, v1  }
0xad: {  	v7 =	vor.u32 s26, v1;
	v8 =	vor.u32 s22, v1;
	[tilespmem:$0xF0] =	vst v6  }
0xae: {  	[tilespmem:$0xA0] =	vst v4  }
0xaf: {  	[tilespmem:$0xD0] =	vst v5  }
0xb0: {  	[tilespmem:$0xC0] =	vst v3  }
0xb1: {  	[tilespmem:$0xB0] =	vst v7  }
0xb2: {  	[tilespmem:$0xE0] =	vst v8  }
0xb3: {  	[tilespmem:s13], [sflag:$0x2] =	stream.indirect.gather [spmem:s2], $0x80, s12, s12, $0xb8;
	[tilespmem:$0x18400] =	vst v63  }
0xb4: {  	_ =	swait.ge [sflag:s14], $0x4000  }
0xb5: {  	[sflag:s14] =	ssyncset.done $0x0  }
0xb6: {  	[sflag:s14] =	ssyncadd.s32 $0xFFFFC000  }
0xb7: {  	[hbm4b:s19+s5] =	stream.linear.scatter [tilespmem:s13], [sflag:$0x2], $0x4000, $0x38;
	[tilespmem:$0x18400] =	vst v63  }
.Ltmp3:
0xb8: {  	_ = 	snop;
	(pc) =	sbr.rel @p0 .LBB2_8-.Ltmp3, $4  }
0xb9: {  	_ =	swait.ge [sflag:s14], $0x4000  }
0xba: {  	[sflag:s14] =	ssyncset.done $0x0  }
0xbb: {  	[sflag:s14] =	ssyncadd.s32 $0xFFFFC000  }
0xbc: {  	[tilespmem:s15], [sflag:$0x2] =	stream.indirect.gather [spmem:s3], $0x1, s12, s12, $0xb8;
	[tilespmem:$0x18400] =	vst v63  }
0xbd: {  	_ =	swait.ge [sflag:s14], $0x80;
	s17 =	sadd.s32 $0x1, s17  }
0xbe: {  	[sflag:s14] =	ssyncset.done $0x0;
	p0 =	sne.s32 s17, s7  }
.Ltmp4:
0xbf: {  	[sflag:s14] =	ssyncadd.s32 $0xFFFFFF80;
	(pc) =	sbr.rel @p0 .LBB2_1-.Ltmp4, $4  }
0xc0: {  	[hbm4b:s20+s5] =	stream.linear.scatter [tilespmem:s15], [sflag:$0x2], $0x80, $0x38;
	[tilespmem:$0x18400] =	vst v63  }
0xc1: {  	_ =	swait.ge [sflag:s14], $0x80  }
0xc2: {  	[sflag:s14] =	ssyncset.done $0x0  }
0xc3: {  	[sflag:s14] =	ssyncadd.s32 $0xFFFFFF80  }
0xc4: {  	_ =	sfence.sel $0x180000  }
0xc5: {  	[bflag:$0x0] =	sbarrier.arrive $0xFFFF  }
0xc6: {  	p0 =	sne.s32 s4, $0x0;
	_ =	strace $0x90000047  }
0xc7: {  	s0 =	sadd.s32 @!p0 $0x100000, s1;
	[bflag:$0x2] =	sbarrier.arrive $0xFFFF  }
0xc8: {  	[sflag:s0] =	ssyncadd.tile.s32 @!p0 $0x1;
	_ =	shalt  }
.Lfunc_end2:
_tile_overlayer_lowered:
.L_overlay_start_2:
0xc9: {  	(tag) =	ssettag $0x2  }
0xca: {  	s0 =	rddreg [dreg:$0x0];
	s2 =	stileid.u32  }
0xcb: {  	s1 =	rddreg [dreg:$0x1];
	p0 =	sne.s32 s2, $0x0  }
0xcc: {  	s3 =	rddreg [dreg:$0x2];
	[bflag:$0x3] =	sbarrier.arrive $0xFFFF;
	s2 =	simm.s32 @!p0 $0x1C02  }
0xcd: {  	[timem:s3], [sflag:s2] =	dma.local @!p0 [hbm:s0], s1  }
0xce: {  	s0 =	simm.s32 @!p0 $0x2  }
0xcf: {  	_ =	swait.ge @!p0 [sflag:s0], s1  }
0xd0: {  	s1 =	ssub.s32 @!p0 $0x0, s1;
	[sflag:s0] =	ssyncset.done @!p0 $0x0  }
0xd1: {  	[sflag:s0] =	ssyncadd.s32 @!p0 s1  }
0xd2: {  	[bflag:$0x3] =	sbarrier.arrive $0xFFFF  }
0xd3: {  	_ =	shalt  }

</sc_bundles>
